<compile_context>
chip_gen: v7x
topology: tpu7x:2x2x1
jax: 0.10.2.dev20260603
libtpu: 0.0.44.dev20260713+nightly
codegen_flags: <defaults>
</compile_context>

<pallas_src>
import functools

import jax
import jax.numpy as jnp
from jax import lax
from jax.experimental import pallas as pl
from jax.experimental.pallas import tpu as pltpu
from jax.experimental.pallas import tpu_sc as plsc

VOCAB = 4
NSEG = 2
SEQ = 30
D = 768
BATCH = 4096
NTOK = BATCH * SEQ

NC = 2
NS = 16
NW = NC * NS
BPW = NTOK // NW
K = 64
NCHUNK = BPW // K
NPAIR = NCHUNK // 2
NROWS = VOCAB * NSEG * SEQ


def _comb_body(tok_ref, pos_ref, seg_ref, out_ref):
    p = pos_ref[...]
    for v in range(VOCAB):
        for g in range(NSEG):
            e = p + tok_ref[v : v + 1, :] + seg_ref[g : g + 1, :]
            m = jnp.mean(e, axis=-1, keepdims=True)
            var = jnp.mean((e - m) ** 2, axis=-1, keepdims=True)
            out_ref[(v * NSEG + g) * SEQ : (v * NSEG + g + 1) * SEQ, :] = (
                e - m
            ) * lax.rsqrt(var + 1e-5)


def _build_comb(tok_table, pos_table, seg_table):
    return pl.pallas_call(
        _comb_body,
        out_shape=jax.ShapeDtypeStruct((VOCAB * NSEG * SEQ, D), jnp.float32),
    )(tok_table, pos_table, seg_table)


@functools.lru_cache(maxsize=1)
def _make_expand():
    mesh = plsc.VectorSubcoreMesh(
        core_axis_name="c", subcore_axis_name="s", num_cores=NC, num_subcores=NS
    )

    @functools.partial(
        pl.kernel,
        out_type=jax.ShapeDtypeStruct((NTOK, D), jnp.float32),
        mesh=mesh,
        scratch_types=[
            pltpu.VMEM((BPW,), jnp.int32),
            pltpu.VMEM((BPW,), jnp.int32),
            pltpu.VMEM((BPW,), jnp.int32),
            pltpu.VMEM((K, D), jnp.float32),
            pltpu.VMEM((K, D), jnp.float32),
            pltpu.SemaphoreType.DMA,
            pltpu.SemaphoreType.DMA,
        ],
    )
    def _expand(
        x_hbm, seg_hbm, comb_hbm, out_hbm,
        xs, ss, idxs, rows0, rows1, semg0, semg1,
    ):
        cid = lax.axis_index("c")
        sid = lax.axis_index("s")
        wid = sid * NC + cid
        base = wid * BPW

        pltpu.sync_copy(x_hbm.at[pl.ds(base, BPW)], xs)
        pltpu.sync_copy(seg_hbm.at[pl.ds(base, BPW)], ss)

        def idx_body(j, carry):
            tvec = base + j * 16 + lax.iota(jnp.int32, 16)
            idxs[pl.ds(j * 16, 16)] = (
                xs[pl.ds(j * 16, 16)] * (NSEG * SEQ)
                + ss[pl.ds(j * 16, 16)] * SEQ
                + tvec % SEQ
            )
            return carry

        lax.fori_loop(0, BPW // 16, idx_body, 0)

        pltpu.async_copy(comb_hbm.at[idxs.at[pl.ds(0, K)]], rows0, semg0)

        def pair(g, carry):
            i0 = 2 * g
            pltpu.make_async_copy(comb_hbm.at[pl.ds(0, K)], rows0, semg0).wait()
            pltpu.async_copy(
                comb_hbm.at[idxs.at[pl.ds((i0 + 1) * K, K)]], rows1, semg1
            )
            pltpu.sync_copy(rows0, out_hbm.at[pl.ds(base + i0 * K, K)])
            pltpu.make_async_copy(comb_hbm.at[pl.ds(0, K)], rows1, semg1).wait()

            @pl.when(g < NPAIR - 1)
            def _():
                pltpu.async_copy(
                    comb_hbm.at[idxs.at[pl.ds((i0 + 2) * K, K)]], rows0, semg0
                )

            pltpu.sync_copy(rows1, out_hbm.at[pl.ds(base + (i0 + 1) * K, K)])
            return carry

        lax.fori_loop(0, NPAIR, pair, 0)

    return _expand


def kernel(x, seg, tok_table, pos_table, seg_table):
    comb = _build_comb(tok_table, pos_table, seg_table)
    xf = x.reshape(NTOK).astype(jnp.int32)
    sf = seg.reshape(NTOK).astype(jnp.int32)
    out = _make_expand()(xf, sf, comb)
    return out.reshape(BATCH, SEQ, D)

# --- scband reference (transcript-rebuilt; emitter-appended) ---
"""Pipeline reference for scband-embedding-22617297781359 (READ-ONLY COPY).

The authoritative reference and input builder live on the scoring server;
editing this copy changes nothing except your own understanding.
"""

import jax, jax.numpy as jnp
import numpy as np

VOCAB_SIZE = 4
MAX_LEN = 30
N_SEGMENTS = 2
D_MODEL = 768
BATCH = 4096
SEQ_LEN = 30


def setup_inputs(seed: int = 0) -> dict:
    key = jax.random.key(seed)
    k1, k2, k3, k4, k5 = jax.random.split(key, 5)
    x = jax.random.randint(k1, (BATCH, SEQ_LEN), 0, VOCAB_SIZE, dtype=jnp.int64 if jax.config.jax_enable_x64 else jnp.int32)
    seg = jax.random.randint(k2, (BATCH, SEQ_LEN), 0, N_SEGMENTS, dtype=jnp.int64 if jax.config.jax_enable_x64 else jnp.int32)
    tok_table = jax.random.normal(k3, (VOCAB_SIZE, D_MODEL), dtype=jnp.float32)
    pos_table = jax.random.normal(k4, (MAX_LEN, D_MODEL), dtype=jnp.float32)
    seg_table = jax.random.normal(k5, (N_SEGMENTS, D_MODEL), dtype=jnp.float32)
    return {"x": x, "seg": seg, "tok_table": tok_table, "pos_table": pos_table, "seg_table": seg_table}


def reference(x, seg, tok_table, pos_table, seg_table):
    batch_size, seq_len = x.shape
    pos = jnp.arange(seq_len)
    embedding = (
        jnp.take(tok_table, x, axis=0)
        + jnp.take(pos_table, pos, axis=0)[None, :, :]
        + jnp.take(seg_table, seg, axis=0)
    )
    # LayerNorm with elementwise_affine=False, eps=1e-5
    mean = jnp.mean(embedding, axis=-1, keepdims=True)
    var = jnp.var(embedding, axis=-1, keepdims=True)
    return (embedding - mean) / jnp.sqrt(var + 1e-5)

if __name__ == "__main__":
    import jax
    _d = setup_inputs()
    print(jax.jit(kernel)(*tuple(_d.values())))

</pallas_src>

<mosaic_0001>
#map = affine_map<(d0, d1) -> (0)>
#map1 = affine_map<(d0, d1) -> (0, 0)>
module attributes {stable_mosaic.version = 14 : i64} {
  func.func @_expand(%arg0: i32, %arg1: i32, %arg2: memref<122880xi32, #tpu.memory_space<hbm>>, %arg3: memref<122880xi32, #tpu.memory_space<hbm>>, %arg4: memref<240x768xf32, #tpu.memory_space<hbm>>, %arg5: memref<122880x768xf32, #tpu.memory_space<hbm>>, %arg6: memref<3840xi32, #tpu.memory_space<vmem>>, %arg7: memref<3840xi32, #tpu.memory_space<vmem>>, %arg8: memref<3840xi32, #tpu.memory_space<vmem>>, %arg9: memref<64x768xf32, #tpu.memory_space<vmem>>, %arg10: memref<64x768xf32, #tpu.memory_space<vmem>>, %arg11: memref<!tpu.dma_semaphore, #tpu.memory_space<semaphore_mem>>, %arg12: memref<!tpu.dma_semaphore, #tpu.memory_space<semaphore_mem>>) attributes {dimension_semantics = [#tpu.dimension_semantics<core_parallel>, #tpu.dimension_semantics<subcore_parallel>], iteration_bounds = array<i64: 2, 16>, scalar_prefetch = 0 : i64, scratch_operands = 7 : i64, tpu.core_type = #tpu.core_type<sc_vector_subcore>, window_params = [{transform_indices = #map}, {transform_indices = #map}, {transform_indices = #map1}, {transform_indices = #map1}]} {
    %mul3A = arith.constant 2 : i32
    %mul3A_0 = arith.muli %arg1, %mul3A : i32
    %add3A = arith.addi %mul3A_0, %arg0 : i32
    %mul3A_1 = arith.constant 3840 : i32
    %mul3A_2 = arith.muli %add3A, %mul3A_1 : i32
    "tpu.region"() ({
      %run_scoped3A = tpu.sem_alloc : memref<!tpu.dma_semaphore, #tpu.memory_space<semaphore_mem>>
      %dma_start3A_18 = tpu.memref_slice %arg2[%mul3A_2] : memref<122880xi32, #tpu.memory_space<hbm>> -> memref<3840xi32, #tpu.memory_space<hbm>>
      %dma_start3A_19 = tpu.memref_slice %arg2[%mul3A_2] : memref<122880xi32, #tpu.memory_space<hbm>> -> memref<3840xi32, #tpu.memory_space<hbm>>
      tpu.enqueue_dma source(%dma_start3A_19 : memref<3840xi32, #tpu.memory_space<hbm>>) target(%arg6 : memref<3840xi32, #tpu.memory_space<vmem>>) target_semaphore(%run_scoped3A : memref<!tpu.dma_semaphore, #tpu.memory_space<semaphore_mem>>)
      %dma_wait3A = tpu.memref_slice %arg2[%mul3A_2] : memref<122880xi32, #tpu.memory_space<hbm>> -> memref<3840xi32, #tpu.memory_space<hbm>>
      %dma_wait3A_20 = tpu.memref_slice %arg2[%mul3A_2] : memref<122880xi32, #tpu.memory_space<hbm>> -> memref<3840xi32, #tpu.memory_space<hbm>>
      tpu.wait_dma2 semaphore(%run_scoped3A : memref<!tpu.dma_semaphore, #tpu.memory_space<semaphore_mem>>) src(%dma_wait3A_20 : memref<3840xi32, #tpu.memory_space<hbm>>) dst(%arg6 : memref<3840xi32, #tpu.memory_space<vmem>>)
      tpu.yield
    }) : () -> ()
    "tpu.region"() ({
      %run_scoped3A = tpu.sem_alloc : memref<!tpu.dma_semaphore, #tpu.memory_space<semaphore_mem>>
      %dma_start3A_18 = tpu.memref_slice %arg3[%mul3A_2] : memref<122880xi32, #tpu.memory_space<hbm>> -> memref<3840xi32, #tpu.memory_space<hbm>>
      %dma_start3A_19 = tpu.memref_slice %arg3[%mul3A_2] : memref<122880xi32, #tpu.memory_space<hbm>> -> memref<3840xi32, #tpu.memory_space<hbm>>
      tpu.enqueue_dma source(%dma_start3A_19 : memref<3840xi32, #tpu.memory_space<hbm>>) target(%arg7 : memref<3840xi32, #tpu.memory_space<vmem>>) target_semaphore(%run_scoped3A : memref<!tpu.dma_semaphore, #tpu.memory_space<semaphore_mem>>)
      %dma_wait3A = tpu.memref_slice %arg3[%mul3A_2] : memref<122880xi32, #tpu.memory_space<hbm>> -> memref<3840xi32, #tpu.memory_space<hbm>>
      %dma_wait3A_20 = tpu.memref_slice %arg3[%mul3A_2] : memref<122880xi32, #tpu.memory_space<hbm>> -> memref<3840xi32, #tpu.memory_space<hbm>>
      tpu.wait_dma2 semaphore(%run_scoped3A : memref<!tpu.dma_semaphore, #tpu.memory_space<semaphore_mem>>) src(%dma_wait3A_20 : memref<3840xi32, #tpu.memory_space<hbm>>) dst(%arg7 : memref<3840xi32, #tpu.memory_space<vmem>>)
      tpu.yield
    }) : () -> ()
    %scan3A = arith.constant 0 : i32
    %scan3A_3 = arith.constant 0 : i32
    %scan3A_4 = arith.constant 240 : i32
    %scan3A_5 = arith.addi %scan3A_3, %scan3A_4 : i32
    %scan3A_6 = arith.constant 1 : i32
    scf.for %scan3A_18 = %scan3A_3 to %scan3A_5 step %scan3A_6  : i32 {
      %mul3A_19 = arith.constant 16 : i32
      %mul3A_20 = arith.muli %scan3A_18, %mul3A_19 : i32
      %add3A_21 = arith.addi %mul3A_2, %mul3A_20 : i32
      %iota3A = tpu.iota {dimensions = array<i32: 0>} : vector<16xi32>
      %add3A_22 = vector.broadcast %add3A_21 : i32 to vector<16xi32>
      %add3A_23 = arith.addi %add3A_22, %iota3A : vector<16xi32>
      %mul3A_24 = arith.constant 16 : i32
      %mul3A_25 = arith.muli %scan3A_18, %mul3A_24 : i32
      %get3A = arith.index_cast %mul3A_25 : i32 to index
      %get3A_26 = tpu.vector_load %arg6[%get3A] {strides = array<i32>} : memref<3840xi32, #tpu.memory_space<vmem>>, vector<16xi32>,
      %get3A_27 = vector.shape_cast %get3A_26 : vector<16xi32> to vector<16xi32>
      %mul3A_28 = arith.constant 60 : i32
      %mul3A_29 = vector.broadcast %mul3A_28 : i32 to vector<16xi32>
      %mul3A_30 = arith.muli %get3A_27, %mul3A_29 : vector<16xi32>
      %mul3A_31 = arith.constant 16 : i32
      %mul3A_32 = arith.muli %scan3A_18, %mul3A_31 : i32
      %get3A_33 = arith.index_cast %mul3A_32 : i32 to index
      %get3A_34 = tpu.vector_load %arg7[%get3A_33] {strides = array<i32>} : memref<3840xi32, #tpu.memory_space<vmem>>, vector<16xi32>,
      %get3A_35 = vector.shape_cast %get3A_34 : vector<16xi32> to vector<16xi32>
      %mul3A_36 = arith.constant 30 : i32
      %mul3A_37 = vector.broadcast %mul3A_36 : i32 to vector<16xi32>
      %mul3A_38 = arith.muli %get3A_35, %mul3A_37 : vector<16xi32>
      %add3A_39 = arith.addi %mul3A_30, %mul3A_38 : vector<16xi32>
      %jit3A = arith.constant 30 : i32
      %eq3A = arith.constant 0 : i32
      %eq3A_40 = arith.cmpi eq, %jit3A, %eq3A : i32
      %jit3A_41 = arith.constant 1 : i32
      %select_n3A = arith.select %eq3A_40, %jit3A_41, %jit3A : i32
      %rem3A = vector.broadcast %select_n3A : i32 to vector<16xi32>
      %rem3A_42 = arith.remsi %add3A_23, %rem3A : vector<16xi32>
      %ne3A = arith.constant 0 : i32
      %ne3A_43 = vector.broadcast %ne3A : i32 to vector<16xi32>
      %ne3A_44 = arith.cmpi ne, %rem3A_42, %ne3A_43 : vector<16xi32>
      %lt3A = arith.constant 0 : i32
      %lt3A_45 = vector.broadcast %lt3A : i32 to vector<16xi32>
      %lt3A_46 = arith.cmpi slt, %rem3A_42, %lt3A_45 : vector<16xi32>
      %lt3A_47 = arith.constant 0 : i32
      %lt3A_48 = arith.cmpi slt, %select_n3A, %lt3A_47 : i32
      %ne3A_49 = vector.broadcast %lt3A_48 : i1 to vector<16xi1>
      %ne3A_50 = vector.broadcast %ne3A_49 : vector<16xi1> to vector<16xi1>
      %ne3A_51 = arith.xori %lt3A_46, %ne3A_50 : vector<16xi1>
      %and3A = arith.andi %ne3A_51, %ne3A_44 : vector<16xi1>
      %add3A_52 = vector.broadcast %select_n3A : i32 to vector<16xi32>
      %add3A_53 = arith.addi %rem3A_42, %add3A_52 : vector<16xi32>
      %select_n3A_54 = arith.select %and3A, %add3A_53, %rem3A_42 : vector<16xi1>, vector<16xi32>
      %add3A_55 = arith.addi %add3A_39, %select_n3A_54 : vector<16xi32>
      %mul3A_56 = arith.constant 16 : i32
      %mul3A_57 = arith.muli %scan3A_18, %mul3A_56 : i32
      %swap3A = arith.index_cast %mul3A_57 : i32 to index
      %swap3A_58 = tpu.vector_load %arg8[%swap3A] {strides = array<i32>} : memref<3840xi32, #tpu.memory_space<vmem>>, vector<16xi32>,
      %swap3A_59 = vector.shape_cast %swap3A_58 : vector<16xi32> to vector<16xi32>
      %swap3A_60 = vector.shape_cast %add3A_55 : vector<16xi32> to vector<16xi32>
      tpu.vector_store %arg8[%swap3A], %swap3A_60 {strides = array<i32>} : memref<3840xi32, #tpu.memory_space<vmem>>, vector<16xi32>,
    }
    %scan3A_7 = arith.constant 240 : i32
    %dma_start3A = arith.constant 0 : i32
    %dma_start3A_8 = tpu.memref_slice %arg8[%dma_start3A] : memref<3840xi32, #tpu.memory_space<vmem>> -> memref<64xi32, #tpu.memory_space<vmem>>
    %dma_start3A_9 = arith.constant 0 : i32
    %dma_start3A_10 = arith.constant 0 : i32
    %dma_start3A_11 = tpu.memref_slice %arg4[%dma_start3A_9, %dma_start3A_10] : memref<240x768xf32, #tpu.memory_space<hbm>> -> memref<240x768xf32, #tpu.memory_space<hbm>>
    tpu.enqueue_indirect_dma source(%dma_start3A_11 : memref<240x768xf32, #tpu.memory_space<hbm>>) target(%arg9 : memref<64x768xf32, #tpu.memory_space<vmem>>) offsets(%dma_start3A_8 : memref<64xi32, #tpu.memory_space<vmem>>) semaphore(%arg11 : memref<!tpu.dma_semaphore, #tpu.memory_space<semaphore_mem>>)
    %scan3A_12 = arith.constant 0 : i32
    %scan3A_13 = arith.constant 0 : i32
    %scan3A_14 = arith.constant 30 : i32
    %scan3A_15 = arith.addi %scan3A_13, %scan3A_14 : i32
    %scan3A_16 = arith.constant 1 : i32
    scf.for %scan3A_18 = %scan3A_13 to %scan3A_15 step %scan3A_16  : i32 {
      %mul3A_19 = arith.constant 2 : i32
      %mul3A_20 = arith.muli %mul3A_19, %scan3A_18 : i32
      %dma_wait3A = arith.constant 0 : i32
      %dma_wait3A_21 = arith.constant 0 : i32
      %dma_wait3A_22 = tpu.memref_slice %arg4[%dma_wait3A, %dma_wait3A_21] : memref<240x768xf32, #tpu.memory_space<hbm>> -> memref<64x768xf32, #tpu.memory_space<hbm>>
      %dma_wait3A_23 = arith.constant 0 : i32
      %dma_wait3A_24 = arith.constant 0 : i32
      %dma_wait3A_25 = tpu.memref_slice %arg4[%dma_wait3A_23, %dma_wait3A_24] : memref<240x768xf32, #tpu.memory_space<hbm>> -> memref<64x768xf32, #tpu.memory_space<hbm>>
      tpu.wait_dma2 semaphore(%arg11 : memref<!tpu.dma_semaphore, #tpu.memory_space<semaphore_mem>>) src(%dma_wait3A_25 : memref<64x768xf32, #tpu.memory_space<hbm>>) dst(%arg9 : memref<64x768xf32, #tpu.memory_space<vmem>>)
      %add3A_26 = arith.constant 1 : i32
      %add3A_27 = arith.addi %mul3A_20, %add3A_26 : i32
      %mul3A_28 = arith.constant 64 : i32
      %mul3A_29 = arith.muli %add3A_27, %mul3A_28 : i32
      %dma_start3A_30 = tpu.memref_slice %arg8[%mul3A_29] : memref<3840xi32, #tpu.memory_space<vmem>> -> memref<64xi32, #tpu.memory_space<vmem>>
      %dma_start3A_31 = arith.constant 0 : i32
      %dma_start3A_32 = arith.constant 0 : i32
      %dma_start3A_33 = tpu.memref_slice %arg4[%dma_start3A_31, %dma_start3A_32] : memref<240x768xf32, #tpu.memory_space<hbm>> -> memref<240x768xf32, #tpu.memory_space<hbm>>
      tpu.enqueue_indirect_dma source(%dma_start3A_33 : memref<240x768xf32, #tpu.memory_space<hbm>>) target(%arg10 : memref<64x768xf32, #tpu.memory_space<vmem>>) offsets(%dma_start3A_30 : memref<64xi32, #tpu.memory_space<vmem>>) semaphore(%arg12 : memref<!tpu.dma_semaphore, #tpu.memory_space<semaphore_mem>>)
      %mul3A_34 = arith.constant 64 : i32
      %mul3A_35 = arith.muli %mul3A_20, %mul3A_34 : i32
      %add3A_36 = arith.addi %mul3A_2, %mul3A_35 : i32
      "tpu.region"() ({
        %run_scoped3A = tpu.sem_alloc : memref<!tpu.dma_semaphore, #tpu.memory_space<semaphore_mem>>
        %dma_start3A_50 = arith.constant 0 : i32
        %dma_start3A_51 = tpu.memref_slice %arg5[%add3A_36, %dma_start3A_50] : memref<122880x768xf32, #tpu.memory_space<hbm>> -> memref<64x768xf32, #tpu.memory_space<hbm>>
        %dma_start3A_52 = arith.constant 0 : i32
        %dma_start3A_53 = tpu.memref_slice %arg5[%add3A_36, %dma_start3A_52] : memref<122880x768xf32, #tpu.memory_space<hbm>> -> memref<64x768xf32, #tpu.memory_space<hbm>>
        tpu.enqueue_dma source(%arg9 : memref<64x768xf32, #tpu.memory_space<vmem>>) target(%dma_start3A_53 : memref<64x768xf32, #tpu.memory_space<hbm>>) target_semaphore(%run_scoped3A : memref<!tpu.dma_semaphore, #tpu.memory_space<semaphore_mem>>)
        %dma_wait3A_54 = arith.constant 0 : i32
        %dma_wait3A_55 = tpu.memref_slice %arg5[%add3A_36, %dma_wait3A_54] : memref<122880x768xf32, #tpu.memory_space<hbm>> -> memref<64x768xf32, #tpu.memory_space<hbm>>
        %dma_wait3A_56 = arith.constant 0 : i32
        %dma_wait3A_57 = tpu.memref_slice %arg5[%add3A_36, %dma_wait3A_56] : memref<122880x768xf32, #tpu.memory_space<hbm>> -> memref<64x768xf32, #tpu.memory_space<hbm>>
        tpu.wait_dma2 semaphore(%run_scoped3A : memref<!tpu.dma_semaphore, #tpu.memory_space<semaphore_mem>>) src(%arg9 : memref<64x768xf32, #tpu.memory_space<vmem>>) dst(%dma_wait3A_57 : memref<64x768xf32, #tpu.memory_space<hbm>>)
        tpu.yield
      }) : () -> ()
      %dma_wait3A_37 = arith.constant 0 : i32
      %dma_wait3A_38 = arith.constant 0 : i32
      %dma_wait3A_39 = tpu.memref_slice %arg4[%dma_wait3A_37, %dma_wait3A_38] : memref<240x768xf32, #tpu.memory_space<hbm>> -> memref<64x768xf32, #tpu.memory_space<hbm>>
      %dma_wait3A_40 = arith.constant 0 : i32
      %dma_wait3A_41 = arith.constant 0 : i32
      %dma_wait3A_42 = tpu.memref_slice %arg4[%dma_wait3A_40, %dma_wait3A_41] : memref<240x768xf32, #tpu.memory_space<hbm>> -> memref<64x768xf32, #tpu.memory_space<hbm>>
      tpu.wait_dma2 semaphore(%arg12 : memref<!tpu.dma_semaphore, #tpu.memory_space<semaphore_mem>>) src(%dma_wait3A_42 : memref<64x768xf32, #tpu.memory_space<hbm>>) dst(%arg10 : memref<64x768xf32, #tpu.memory_space<vmem>>)
      %lt3A = arith.constant 29 : i32
      %lt3A_43 = arith.cmpi slt, %scan3A_18, %lt3A : i32
      %convert_element_type3A = arith.extui %lt3A_43 : i1 to i32
      %cond3A = arith.constant 0 : i32
      %cond3A_44 = arith.cmpi ne, %convert_element_type3A, %cond3A : i32
      scf.if %cond3A_44 {
        %add3A_50 = arith.constant 2 : i32
        %add3A_51 = arith.addi %mul3A_20, %add3A_50 : i32
        %mul3A_52 = arith.constant 64 : i32
        %mul3A_53 = arith.muli %add3A_51, %mul3A_52 : i32
        %dma_start3A_54 = tpu.memref_slice %arg8[%mul3A_53] : memref<3840xi32, #tpu.memory_space<vmem>> -> memref<64xi32, #tpu.memory_space<vmem>>
        %dma_start3A_55 = arith.constant 0 : i32
        %dma_start3A_56 = arith.constant 0 : i32
        %dma_start3A_57 = tpu.memref_slice %arg4[%dma_start3A_55, %dma_start3A_56] : memref<240x768xf32, #tpu.memory_space<hbm>> -> memref<240x768xf32, #tpu.memory_space<hbm>>
        tpu.enqueue_indirect_dma source(%dma_start3A_57 : memref<240x768xf32, #tpu.memory_space<hbm>>) target(%arg9 : memref<64x768xf32, #tpu.memory_space<vmem>>) offsets(%dma_start3A_54 : memref<64xi32, #tpu.memory_space<vmem>>) semaphore(%arg11 : memref<!tpu.dma_semaphore, #tpu.memory_space<semaphore_mem>>)
      } else {
      }
      %add3A_45 = arith.constant 1 : i32
      %add3A_46 = arith.addi %mul3A_20, %add3A_45 : i32
      %mul3A_47 = arith.constant 64 : i32
      %mul3A_48 = arith.muli %add3A_46, %mul3A_47 : i32
      %add3A_49 = arith.addi %mul3A_2, %mul3A_48 : i32
      "tpu.region"() ({
        %run_scoped3A = tpu.sem_alloc : memref<!tpu.dma_semaphore, #tpu.memory_space<semaphore_mem>>
        %dma_start3A_50 = arith.constant 0 : i32
        %dma_start3A_51 = tpu.memref_slice %arg5[%add3A_49, %dma_start3A_50] : memref<122880x768xf32, #tpu.memory_space<hbm>> -> memref<64x768xf32, #tpu.memory_space<hbm>>
        %dma_start3A_52 = arith.constant 0 : i32
        %dma_start3A_53 = tpu.memref_slice %arg5[%add3A_49, %dma_start3A_52] : memref<122880x768xf32, #tpu.memory_space<hbm>> -> memref<64x768xf32, #tpu.memory_space<hbm>>
        tpu.enqueue_dma source(%arg10 : memref<64x768xf32, #tpu.memory_space<vmem>>) target(%dma_start3A_53 : memref<64x768xf32, #tpu.memory_space<hbm>>) target_semaphore(%run_scoped3A : memref<!tpu.dma_semaphore, #tpu.memory_space<semaphore_mem>>)
        %dma_wait3A_54 = arith.constant 0 : i32
        %dma_wait3A_55 = tpu.memref_slice %arg5[%add3A_49, %dma_wait3A_54] : memref<122880x768xf32, #tpu.memory_space<hbm>> -> memref<64x768xf32, #tpu.memory_space<hbm>>
        %dma_wait3A_56 = arith.constant 0 : i32
        %dma_wait3A_57 = tpu.memref_slice %arg5[%add3A_49, %dma_wait3A_56] : memref<122880x768xf32, #tpu.memory_space<hbm>> -> memref<64x768xf32, #tpu.memory_space<hbm>>
        tpu.wait_dma2 semaphore(%run_scoped3A : memref<!tpu.dma_semaphore, #tpu.memory_space<semaphore_mem>>) src(%arg10 : memref<64x768xf32, #tpu.memory_space<vmem>>) dst(%dma_wait3A_57 : memref<64x768xf32, #tpu.memory_space<hbm>>)
        tpu.yield
      }) : () -> ()
    }
    %scan3A_17 = arith.constant 30 : i32
    return
  }
}

module attributes {stable_mosaic.version = 14 : i64} {
  func.func @_comb_body(%arg0: memref<4x768xf32, #tpu.memory_space<vmem>>, %arg1: memref<30x768xf32, #tpu.memory_space<vmem>>, %arg2: memref<2x768xf32, #tpu.memory_space<vmem>>, %arg3: memref<240x768xf32, #tpu.memory_space<vmem>>) attributes {dimension_semantics = [], scalar_prefetch = 0 : i64, scratch_operands = 0 : i64, tpu.core_type = #tpu.core_type<tc>} {
    %get3A = arith.constant 0 : index
    %get3A_0 = arith.constant 0 : index
    %get3A_1 = vector.load %arg1[%get3A, %get3A_0] : memref<30x768xf32, #tpu.memory_space<vmem>>, vector<30x768xf32>
    %get3A_2 = arith.constant 0 : index
    %get3A_3 = arith.constant 0 : index
    %get3A_4 = vector.load %arg0[%get3A_2, %get3A_3] : memref<4x768xf32, #tpu.memory_space<vmem>>, vector<1x768xf32>
    %add3A = vector.broadcast %get3A_4 : vector<1x768xf32> to vector<30x768xf32>
    %add3A_5 = arith.addf %get3A_1, %add3A : vector<30x768xf32>
    %get3A_6 = arith.constant 0 : index
    %get3A_7 = arith.constant 0 : index
    %get3A_8 = vector.load %arg2[%get3A_6, %get3A_7] : memref<2x768xf32, #tpu.memory_space<vmem>>, vector<1x768xf32>
    %add3A_9 = vector.broadcast %get3A_8 : vector<1x768xf32> to vector<30x768xf32>
    %add3A_10 = arith.addf %add3A_5, %add3A_9 : vector<30x768xf32>
    %reduce_sum3A = arith.constant dense<0.000000e+00> : vector<30xf32>
    %reduce_sum3A_11 = vector.multi_reduction <add>, %add3A_10, %reduce_sum3A [1] : vector<30x768xf32> to vector<30xf32>
    %broadcast_in_dim3A = vector.shape_cast %reduce_sum3A_11 : vector<30xf32> to vector<30x1xf32>
    %div3A = arith.constant 7.680000e+02 : f32
    %div3A_12 = vector.broadcast %div3A : f32 to vector<30x1xf32>
    %div3A_13 = arith.divf %broadcast_in_dim3A, %div3A_12 : vector<30x1xf32>
    %sub3A = vector.broadcast %div3A_13 : vector<30x1xf32> to vector<30x768xf32>
    %sub3A_14 = arith.subf %add3A_10, %sub3A : vector<30x768xf32>
    %integer_pow3A = arith.mulf %sub3A_14, %sub3A_14 : vector<30x768xf32>
    %reduce_sum3A_15 = arith.constant dense<0.000000e+00> : vector<30xf32>
    %reduce_sum3A_16 = vector.multi_reduction <add>, %integer_pow3A, %reduce_sum3A_15 [1] : vector<30x768xf32> to vector<30xf32>
    %broadcast_in_dim3A_17 = vector.shape_cast %reduce_sum3A_16 : vector<30xf32> to vector<30x1xf32>
    %div3A_18 = arith.constant 7.680000e+02 : f32
    %div3A_19 = vector.broadcast %div3A_18 : f32 to vector<30x1xf32>
    %div3A_20 = arith.divf %broadcast_in_dim3A_17, %div3A_19 : vector<30x1xf32>
    %sub3A_21 = vector.broadcast %div3A_13 : vector<30x1xf32> to vector<30x768xf32>
    %sub3A_22 = arith.subf %add3A_10, %sub3A_21 : vector<30x768xf32>
    %add3A_23 = arith.constant 9.99999974E-6 : f32
    %add3A_24 = vector.broadcast %add3A_23 : f32 to vector<30x1xf32>
    %add3A_25 = arith.addf %div3A_20, %add3A_24 : vector<30x1xf32>
    %rsqrt3A = math.rsqrt %add3A_25 : vector<30x1xf32>
    %mul3A = vector.broadcast %rsqrt3A : vector<30x1xf32> to vector<30x768xf32>
    %mul3A_26 = arith.mulf %sub3A_22, %mul3A : vector<30x768xf32>
    %swap3A = arith.constant 0 : index
    %swap3A_27 = arith.constant 0 : index
    %swap3A_28 = vector.load %arg3[%swap3A, %swap3A_27] : memref<240x768xf32, #tpu.memory_space<vmem>>, vector<30x768xf32>
    tpu.vector_store %arg3[%swap3A, %swap3A_27], %mul3A_26 {strides = array<i32>} : memref<240x768xf32, #tpu.memory_space<vmem>>, vector<30x768xf32>,
    %get3A_29 = arith.constant 0 : index
    %get3A_30 = arith.constant 0 : index
    %get3A_31 = vector.load %arg0[%get3A_29, %get3A_30] : memref<4x768xf32, #tpu.memory_space<vmem>>, vector<1x768xf32>
    %add3A_32 = vector.broadcast %get3A_31 : vector<1x768xf32> to vector<30x768xf32>
    %add3A_33 = arith.addf %get3A_1, %add3A_32 : vector<30x768xf32>
    %get3A_34 = arith.constant 1 : index
    %get3A_35 = arith.constant 0 : index
    %get3A_36 = vector.load %arg2[%get3A_34, %get3A_35] : memref<2x768xf32, #tpu.memory_space<vmem>>, vector<1x768xf32>
    %add3A_37 = vector.broadcast %get3A_36 : vector<1x768xf32> to vector<30x768xf32>
    %add3A_38 = arith.addf %add3A_33, %add3A_37 : vector<30x768xf32>
    %reduce_sum3A_39 = arith.constant dense<0.000000e+00> : vector<30xf32>
    %reduce_sum3A_40 = vector.multi_reduction <add>, %add3A_38, %reduce_sum3A_39 [1] : vector<30x768xf32> to vector<30xf32>
    %broadcast_in_dim3A_41 = vector.shape_cast %reduce_sum3A_40 : vector<30xf32> to vector<30x1xf32>
    %div3A_42 = arith.constant 7.680000e+02 : f32
    %div3A_43 = vector.broadcast %div3A_42 : f32 to vector<30x1xf32>
    %div3A_44 = arith.divf %broadcast_in_dim3A_41, %div3A_43 : vector<30x1xf32>
    %sub3A_45 = vector.broadcast %div3A_44 : vector<30x1xf32> to vector<30x768xf32>
    %sub3A_46 = arith.subf %add3A_38, %sub3A_45 : vector<30x768xf32>
    %integer_pow3A_47 = arith.mulf %sub3A_46, %sub3A_46 : vector<30x768xf32>
    %reduce_sum3A_48 = arith.constant dense<0.000000e+00> : vector<30xf32>
    %reduce_sum3A_49 = vector.multi_reduction <add>, %integer_pow3A_47, %reduce_sum3A_48 [1] : vector<30x768xf32> to vector<30xf32>
    %broadcast_in_dim3A_50 = vector.shape_cast %reduce_sum3A_49 : vector<30xf32> to vector<30x1xf32>
    %div3A_51 = arith.constant 7.680000e+02 : f32
    %div3A_52 = vector.broadcast %div3A_51 : f32 to vector<30x1xf32>
    %div3A_53 = arith.divf %broadcast_in_dim3A_50, %div3A_52 : vector<30x1xf32>
    %sub3A_54 = vector.broadcast %div3A_44 : vector<30x1xf32> to vector<30x768xf32>
    %sub3A_55 = arith.subf %add3A_38, %sub3A_54 : vector<30x768xf32>
    %add3A_56 = arith.constant 9.99999974E-6 : f32
    %add3A_57 = vector.broadcast %add3A_56 : f32 to vector<30x1xf32>
    %add3A_58 = arith.addf %div3A_53, %add3A_57 : vector<30x1xf32>
    %rsqrt3A_59 = math.rsqrt %add3A_58 : vector<30x1xf32>
    %mul3A_60 = vector.broadcast %rsqrt3A_59 : vector<30x1xf32> to vector<30x768xf32>
    %mul3A_61 = arith.mulf %sub3A_55, %mul3A_60 : vector<30x768xf32>
    %swap3A_62 = arith.constant 30 : index
    %swap3A_63 = arith.constant 0 : index
    %swap3A_64 = vector.load %arg3[%swap3A_62, %swap3A_63] : memref<240x768xf32, #tpu.memory_space<vmem>>, vector<30x768xf32>
    tpu.vector_store %arg3[%swap3A_62, %swap3A_63], %mul3A_61 {strides = array<i32>} : memref<240x768xf32, #tpu.memory_space<vmem>>, vector<30x768xf32>,
    %get3A_65 = arith.constant 1 : index
    %get3A_66 = arith.constant 0 : index
    %get3A_67 = vector.load %arg0[%get3A_65, %get3A_66] : memref<4x768xf32, #tpu.memory_space<vmem>>, vector<1x768xf32>
    %add3A_68 = vector.broadcast %get3A_67 : vector<1x768xf32> to vector<30x768xf32>
    %add3A_69 = arith.addf %get3A_1, %add3A_68 : vector<30x768xf32>
    %get3A_70 = arith.constant 0 : index
    %get3A_71 = arith.constant 0 : index
    %get3A_72 = vector.load %arg2[%get3A_70, %get3A_71] : memref<2x768xf32, #tpu.memory_space<vmem>>, vector<1x768xf32>
    %add3A_73 = vector.broadcast %get3A_72 : vector<1x768xf32> to vector<30x768xf32>
    %add3A_74 = arith.addf %add3A_69, %add3A_73 : vector<30x768xf32>
    %reduce_sum3A_75 = arith.constant dense<0.000000e+00> : vector<30xf32>
    %reduce_sum3A_76 = vector.multi_reduction <add>, %add3A_74, %reduce_sum3A_75 [1] : vector<30x768xf32> to vector<30xf32>
    %broadcast_in_dim3A_77 = vector.shape_cast %reduce_sum3A_76 : vector<30xf32> to vector<30x1xf32>
    %div3A_78 = arith.constant 7.680000e+02 : f32
    %div3A_79 = vector.broadcast %div3A_78 : f32 to vector<30x1xf32>
    %div3A_80 = arith.divf %broadcast_in_dim3A_77, %div3A_79 : vector<30x1xf32>
    %sub3A_81 = vector.broadcast %div3A_80 : vector<30x1xf32> to vector<30x768xf32>
    %sub3A_82 = arith.subf %add3A_74, %sub3A_81 : vector<30x768xf32>
    %integer_pow3A_83 = arith.mulf %sub3A_82, %sub3A_82 : vector<30x768xf32>
    %reduce_sum3A_84 = arith.constant dense<0.000000e+00> : vector<30xf32>
    %reduce_sum3A_85 = vector.multi_reduction <add>, %integer_pow3A_83, %reduce_sum3A_84 [1] : vector<30x768xf32> to vector<30xf32>
    %broadcast_in_dim3A_86 = vector.shape_cast %reduce_sum3A_85 : vector<30xf32> to vector<30x1xf32>
    %div3A_87 = arith.constant 7.680000e+02 : f32
    %div3A_88 = vector.broadcast %div3A_87 : f32 to vector<30x1xf32>
    %div3A_89 = arith.divf %broadcast_in_dim3A_86, %div3A_88 : vector<30x1xf32>
    %sub3A_90 = vector.broadcast %div3A_80 : vector<30x1xf32> to vector<30x768xf32>
    %sub3A_91 = arith.subf %add3A_74, %sub3A_90 : vector<30x768xf32>
    %add3A_92 = arith.constant 9.99999974E-6 : f32
    %add3A_93 = vector.broadcast %add3A_92 : f32 to vector<30x1xf32>
    %add3A_94 = arith.addf %div3A_89, %add3A_93 : vector<30x1xf32>
    %rsqrt3A_95 = math.rsqrt %add3A_94 : vector<30x1xf32>
    %mul3A_96 = vector.broadcast %rsqrt3A_95 : vector<30x1xf32> to vector<30x768xf32>
    %mul3A_97 = arith.mulf %sub3A_91, %mul3A_96 : vector<30x768xf32>
    %swap3A_98 = arith.constant 60 : index
    %swap3A_99 = arith.constant 0 : index
    %swap3A_100 = vector.load %arg3[%swap3A_98, %swap3A_99] : memref<240x768xf32, #tpu.memory_space<vmem>>, vector<30x768xf32>
    tpu.vector_store %arg3[%swap3A_98, %swap3A_99], %mul3A_97 {strides = array<i32>} : memref<240x768xf32, #tpu.memory_space<vmem>>, vector<30x768xf32>,
    %get3A_101 = arith.constant 1 : index
    %get3A_102 = arith.constant 0 : index
    %get3A_103 = vector.load %arg0[%get3A_101, %get3A_102] : memref<4x768xf32, #tpu.memory_space<vmem>>, vector<1x768xf32>
    %add3A_104 = vector.broadcast %get3A_103 : vector<1x768xf32> to vector<30x768xf32>
    %add3A_105 = arith.addf %get3A_1, %add3A_104 : vector<30x768xf32>
    %get3A_106 = arith.constant 1 : index
    %get3A_107 = arith.constant 0 : index
    %get3A_108 = vector.load %arg2[%get3A_106, %get3A_107] : memref<2x768xf32, #tpu.memory_space<vmem>>, vector<1x768xf32>
    %add3A_109 = vector.broadcast %get3A_108 : vector<1x768xf32> to vector<30x768xf32>
    %add3A_110 = arith.addf %add3A_105, %add3A_109 : vector<30x768xf32>
    %reduce_sum3A_111 = arith.constant dense<0.000000e+00> : vector<30xf32>
    %reduce_sum3A_112 = vector.multi_reduction <add>, %add3A_110, %reduce_sum3A_111 [1] : vector<30x768xf32> to vector<30xf32>
    %broadcast_in_dim3A_113 = vector.shape_cast %reduce_sum3A_112 : vector<30xf32> to vector<30x1xf32>
    %div3A_114 = arith.constant 7.680000e+02 : f32
    %div3A_115 = vector.broadcast %div3A_114 : f32 to vector<30x1xf32>
    %div3A_116 = arith.divf %broadcast_in_dim3A_113, %div3A_115 : vector<30x1xf32>
    %sub3A_117 = vector.broadcast %div3A_116 : vector<30x1xf32> to vector<30x768xf32>
    %sub3A_118 = arith.subf %add3A_110, %sub3A_117 : vector<30x768xf32>
    %integer_pow3A_119 = arith.mulf %sub3A_118, %sub3A_118 : vector<30x768xf32>
    %reduce_sum3A_120 = arith.constant dense<0.000000e+00> : vector<30xf32>
    %reduce_sum3A_121 = vector.multi_reduction <add>, %integer_pow3A_119, %reduce_sum3A_120 [1] : vector<30x768xf32> to vector<30xf32>
    %broadcast_in_dim3A_122 = vector.shape_cast %reduce_sum3A_121 : vector<30xf32> to vector<30x1xf32>
    %div3A_123 = arith.constant 7.680000e+02 : f32
    %div3A_124 = vector.broadcast %div3A_123 : f32 to vector<30x1xf32>
    %div3A_125 = arith.divf %broadcast_in_dim3A_122, %div3A_124 : vector<30x1xf32>
    %sub3A_126 = vector.broadcast %div3A_116 : vector<30x1xf32> to vector<30x768xf32>
    %sub3A_127 = arith.subf %add3A_110, %sub3A_126 : vector<30x768xf32>
    %add3A_128 = arith.constant 9.99999974E-6 : f32
    %add3A_129 = vector.broadcast %add3A_128 : f32 to vector<30x1xf32>
    %add3A_130 = arith.addf %div3A_125, %add3A_129 : vector<30x1xf32>
    %rsqrt3A_131 = math.rsqrt %add3A_130 : vector<30x1xf32>
    %mul3A_132 = vector.broadcast %rsqrt3A_131 : vector<30x1xf32> to vector<30x768xf32>
    %mul3A_133 = arith.mulf %sub3A_127, %mul3A_132 : vector<30x768xf32>
    %swap3A_134 = arith.constant 90 : index
    %swap3A_135 = arith.constant 0 : index
    %swap3A_136 = vector.load %arg3[%swap3A_134, %swap3A_135] : memref<240x768xf32, #tpu.memory_space<vmem>>, vector<30x768xf32>
    tpu.vector_store %arg3[%swap3A_134, %swap3A_135], %mul3A_133 {strides = array<i32>} : memref<240x768xf32, #tpu.memory_space<vmem>>, vector<30x768xf32>,
    %get3A_137 = arith.constant 2 : index
    %get3A_138 = arith.constant 0 : index
    %get3A_139 = vector.load %arg0[%get3A_137, %get3A_138] : memref<4x768xf32, #tpu.memory_space<vmem>>, vector<1x768xf32>
    %add3A_140 = vector.broadcast %get3A_139 : vector<1x768xf32> to vector<30x768xf32>
    %add3A_141 = arith.addf %get3A_1, %add3A_140 : vector<30x768xf32>
    %get3A_142 = arith.constant 0 : index
    %get3A_143 = arith.constant 0 : index
    %get3A_144 = vector.load %arg2[%get3A_142, %get3A_143] : memref<2x768xf32, #tpu.memory_space<vmem>>, vector<1x768xf32>
    %add3A_145 = vector.broadcast %get3A_144 : vector<1x768xf32> to vector<30x768xf32>
    %add3A_146 = arith.addf %add3A_141, %add3A_145 : vector<30x768xf32>
    %reduce_sum3A_147 = arith.constant dense<0.000000e+00> : vector<30xf32>
    %reduce_sum3A_148 = vector.multi_reduction <add>, %add3A_146, %reduce_sum3A_147 [1] : vector<30x768xf32> to vector<30xf32>
    %broadcast_in_dim3A_149 = vector.shape_cast %reduce_sum3A_148 : vector<30xf32> to vector<30x1xf32>
    %div3A_150 = arith.constant 7.680000e+02 : f32
    %div3A_151 = vector.broadcast %div3A_150 : f32 to vector<30x1xf32>
    %div3A_152 = arith.divf %broadcast_in_dim3A_149, %div3A_151 : vector<30x1xf32>
    %sub3A_153 = vector.broadcast %div3A_152 : vector<30x1xf32> to vector<30x768xf32>
    %sub3A_154 = arith.subf %add3A_146, %sub3A_153 : vector<30x768xf32>
    %integer_pow3A_155 = arith.mulf %sub3A_154, %sub3A_154 : vector<30x768xf32>
    %reduce_sum3A_156 = arith.constant dense<0.000000e+00> : vector<30xf32>
    %reduce_sum3A_157 = vector.multi_reduction <add>, %integer_pow3A_155, %reduce_sum3A_156 [1] : vector<30x768xf32> to vector<30xf32>
    %broadcast_in_dim3A_158 = vector.shape_cast %reduce_sum3A_157 : vector<30xf32> to vector<30x1xf32>
    %div3A_159 = arith.constant 7.680000e+02 : f32
    %div3A_160 = vector.broadcast %div3A_159 : f32 to vector<30x1xf32>
    %div3A_161 = arith.divf %broadcast_in_dim3A_158, %div3A_160 : vector<30x1xf32>
    %sub3A_162 = vector.broadcast %div3A_152 : vector<30x1xf32> to vector<30x768xf32>
    %sub3A_163 = arith.subf %add3A_146, %sub3A_162 : vector<30x768xf32>
    %add3A_164 = arith.constant 9.99999974E-6 : f32
    %add3A_165 = vector.broadcast %add3A_164 : f32 to vector<30x1xf32>
    %add3A_166 = arith.addf %div3A_161, %add3A_165 : vector<30x1xf32>
    %rsqrt3A_167 = math.rsqrt %add3A_166 : vector<30x1xf32>
    %mul3A_168 = vector.broadcast %rsqrt3A_167 : vector<30x1xf32> to vector<30x768xf32>
    %mul3A_169 = arith.mulf %sub3A_163, %mul3A_168 : vector<30x768xf32>
    %swap3A_170 = arith.constant 120 : index
    %swap3A_171 = arith.constant 0 : index
    %swap3A_172 = vector.load %arg3[%swap3A_170, %swap3A_171] : memref<240x768xf32, #tpu.memory_space<vmem>>, vector<30x768xf32>
    tpu.vector_store %arg3[%swap3A_170, %swap3A_171], %mul3A_169 {strides = array<i32>} : memref<240x768xf32, #tpu.memory_space<vmem>>, vector<30x768xf32>,
    %get3A_173 = arith.constant 2 : index
    %get3A_174 = arith.constant 0 : index
    %get3A_175 = vector.load %arg0[%get3A_173, %get3A_174] : memref<4x768xf32, #tpu.memory_space<vmem>>, vector<1x768xf32>
    %add3A_176 = vector.broadcast %get3A_175 : vector<1x768xf32> to vector<30x768xf32>
    %add3A_177 = arith.addf %get3A_1, %add3A_176 : vector<30x768xf32>
    %get3A_178 = arith.constant 1 : index
    %get3A_179 = arith.constant 0 : index
    %get3A_180 = vector.load %arg2[%get3A_178, %get3A_179] : memref<2x768xf32, #tpu.memory_space<vmem>>, vector<1x768xf32>
    %add3A_181 = vector.broadcast %get3A_180 : vector<1x768xf32> to vector<30x768xf32>
    %add3A_182 = arith.addf %add3A_177, %add3A_181 : vector<30x768xf32>
    %reduce_sum3A_183 = arith.constant dense<0.000000e+00> : vector<30xf32>
    %reduce_sum3A_184 = vector.multi_reduction <add>, %add3A_182, %reduce_sum3A_183 [1] : vector<30x768xf32> to vector<30xf32>
    %broadcast_in_dim3A_185 = vector.shape_cast %reduce_sum3A_184 : vector<30xf32> to vector<30x1xf32>
    %div3A_186 = arith.constant 7.680000e+02 : f32
    %div3A_187 = vector.broadcast %div3A_186 : f32 to vector<30x1xf32>
    %div3A_188 = arith.divf %broadcast_in_dim3A_185, %div3A_187 : vector<30x1xf32>
    %sub3A_189 = vector.broadcast %div3A_188 : vector<30x1xf32> to vector<30x768xf32>
    %sub3A_190 = arith.subf %add3A_182, %sub3A_189 : vector<30x768xf32>
    %integer_pow3A_191 = arith.mulf %sub3A_190, %sub3A_190 : vector<30x768xf32>
    %reduce_sum3A_192 = arith.constant dense<0.000000e+00> : vector<30xf32>
    %reduce_sum3A_193 = vector.multi_reduction <add>, %integer_pow3A_191, %reduce_sum3A_192 [1] : vector<30x768xf32> to vector<30xf32>
    %broadcast_in_dim3A_194 = vector.shape_cast %reduce_sum3A_193 : vector<30xf32> to vector<30x1xf32>
    %div3A_195 = arith.constant 7.680000e+02 : f32
    %div3A_196 = vector.broadcast %div3A_195 : f32 to vector<30x1xf32>
    %div3A_197 = arith.divf %broadcast_in_dim3A_194, %div3A_196 : vector<30x1xf32>
    %sub3A_198 = vector.broadcast %div3A_188 : vector<30x1xf32> to vector<30x768xf32>
    %sub3A_199 = arith.subf %add3A_182, %sub3A_198 : vector<30x768xf32>
    %add3A_200 = arith.constant 9.99999974E-6 : f32
    %add3A_201 = vector.broadcast %add3A_200 : f32 to vector<30x1xf32>
    %add3A_202 = arith.addf %div3A_197, %add3A_201 : vector<30x1xf32>
    %rsqrt3A_203 = math.rsqrt %add3A_202 : vector<30x1xf32>
    %mul3A_204 = vector.broadcast %rsqrt3A_203 : vector<30x1xf32> to vector<30x768xf32>
    %mul3A_205 = arith.mulf %sub3A_199, %mul3A_204 : vector<30x768xf32>
    %swap3A_206 = arith.constant 150 : index
    %swap3A_207 = arith.constant 0 : index
    %swap3A_208 = vector.load %arg3[%swap3A_206, %swap3A_207] : memref<240x768xf32, #tpu.memory_space<vmem>>, vector<30x768xf32>
    tpu.vector_store %arg3[%swap3A_206, %swap3A_207], %mul3A_205 {strides = array<i32>} : memref<240x768xf32, #tpu.memory_space<vmem>>, vector<30x768xf32>,
    %get3A_209 = arith.constant 3 : index
    %get3A_210 = arith.constant 0 : index
    %get3A_211 = vector.load %arg0[%get3A_209, %get3A_210] : memref<4x768xf32, #tpu.memory_space<vmem>>, vector<1x768xf32>
    %add3A_212 = vector.broadcast %get3A_211 : vector<1x768xf32> to vector<30x768xf32>
    %add3A_213 = arith.addf %get3A_1, %add3A_212 : vector<30x768xf32>
    %get3A_214 = arith.constant 0 : index
    %get3A_215 = arith.constant 0 : index
    %get3A_216 = vector.load %arg2[%get3A_214, %get3A_215] : memref<2x768xf32, #tpu.memory_space<vmem>>, vector<1x768xf32>
    %add3A_217 = vector.broadcast %get3A_216 : vector<1x768xf32> to vector<30x768xf32>
    %add3A_218 = arith.addf %add3A_213, %add3A_217 : vector<30x768xf32>
    %reduce_sum3A_219 = arith.constant dense<0.000000e+00> : vector<30xf32>
    %reduce_sum3A_220 = vector.multi_reduction <add>, %add3A_218, %reduce_sum3A_219 [1] : vector<30x768xf32> to vector<30xf32>
    %broadcast_in_dim3A_221 = vector.shape_cast %reduce_sum3A_220 : vector<30xf32> to vector<30x1xf32>
    %div3A_222 = arith.constant 7.680000e+02 : f32
    %div3A_223 = vector.broadcast %div3A_222 : f32 to vector<30x1xf32>
    %div3A_224 = arith.divf %broadcast_in_dim3A_221, %div3A_223 : vector<30x1xf32>
    %sub3A_225 = vector.broadcast %div3A_224 : vector<30x1xf32> to vector<30x768xf32>
    %sub3A_226 = arith.subf %add3A_218, %sub3A_225 : vector<30x768xf32>
    %integer_pow3A_227 = arith.mulf %sub3A_226, %sub3A_226 : vector<30x768xf32>
    %reduce_sum3A_228 = arith.constant dense<0.000000e+00> : vector<30xf32>
    %reduce_sum3A_229 = vector.multi_reduction <add>, %integer_pow3A_227, %reduce_sum3A_228 [1] : vector<30x768xf32> to vector<30xf32>
    %broadcast_in_dim3A_230 = vector.shape_cast %reduce_sum3A_229 : vector<30xf32> to vector<30x1xf32>
    %div3A_231 = arith.constant 7.680000e+02 : f32
    %div3A_232 = vector.broadcast %div3A_231 : f32 to vector<30x1xf32>
    %div3A_233 = arith.divf %broadcast_in_dim3A_230, %div3A_232 : vector<30x1xf32>
    %sub3A_234 = vector.broadcast %div3A_224 : vector<30x1xf32> to vector<30x768xf32>
    %sub3A_235 = arith.subf %add3A_218, %sub3A_234 : vector<30x768xf32>
    %add3A_236 = arith.constant 9.99999974E-6 : f32
    %add3A_237 = vector.broadcast %add3A_236 : f32 to vector<30x1xf32>
    %add3A_238 = arith.addf %div3A_233, %add3A_237 : vector<30x1xf32>
    %rsqrt3A_239 = math.rsqrt %add3A_238 : vector<30x1xf32>
    %mul3A_240 = vector.broadcast %rsqrt3A_239 : vector<30x1xf32> to vector<30x768xf32>
    %mul3A_241 = arith.mulf %sub3A_235, %mul3A_240 : vector<30x768xf32>
    %swap3A_242 = arith.constant 180 : index
    %swap3A_243 = arith.constant 0 : index
    %swap3A_244 = vector.load %arg3[%swap3A_242, %swap3A_243] : memref<240x768xf32, #tpu.memory_space<vmem>>, vector<30x768xf32>
    tpu.vector_store %arg3[%swap3A_242, %swap3A_243], %mul3A_241 {strides = array<i32>} : memref<240x768xf32, #tpu.memory_space<vmem>>, vector<30x768xf32>,
    %get3A_245 = arith.constant 3 : index
    %get3A_246 = arith.constant 0 : index
    %get3A_247 = vector.load %arg0[%get3A_245, %get3A_246] : memref<4x768xf32, #tpu.memory_space<vmem>>, vector<1x768xf32>
    %add3A_248 = vector.broadcast %get3A_247 : vector<1x768xf32> to vector<30x768xf32>
    %add3A_249 = arith.addf %get3A_1, %add3A_248 : vector<30x768xf32>
    %get3A_250 = arith.constant 1 : index
    %get3A_251 = arith.constant 0 : index
    %get3A_252 = vector.load %arg2[%get3A_250, %get3A_251] : memref<2x768xf32, #tpu.memory_space<vmem>>, vector<1x768xf32>
    %add3A_253 = vector.broadcast %get3A_252 : vector<1x768xf32> to vector<30x768xf32>
    %add3A_254 = arith.addf %add3A_249, %add3A_253 : vector<30x768xf32>
    %reduce_sum3A_255 = arith.constant dense<0.000000e+00> : vector<30xf32>
    %reduce_sum3A_256 = vector.multi_reduction <add>, %add3A_254, %reduce_sum3A_255 [1] : vector<30x768xf32> to vector<30xf32>
    %broadcast_in_dim3A_257 = vector.shape_cast %reduce_sum3A_256 : vector<30xf32> to vector<30x1xf32>
    %div3A_258 = arith.constant 7.680000e+02 : f32
    %div3A_259 = vector.broadcast %div3A_258 : f32 to vector<30x1xf32>
    %div3A_260 = arith.divf %broadcast_in_dim3A_257, %div3A_259 : vector<30x1xf32>
    %sub3A_261 = vector.broadcast %div3A_260 : vector<30x1xf32> to vector<30x768xf32>
    %sub3A_262 = arith.subf %add3A_254, %sub3A_261 : vector<30x768xf32>
    %integer_pow3A_263 = arith.mulf %sub3A_262, %sub3A_262 : vector<30x768xf32>
    %reduce_sum3A_264 = arith.constant dense<0.000000e+00> : vector<30xf32>
    %reduce_sum3A_265 = vector.multi_reduction <add>, %integer_pow3A_263, %reduce_sum3A_264 [1] : vector<30x768xf32> to vector<30xf32>
    %broadcast_in_dim3A_266 = vector.shape_cast %reduce_sum3A_265 : vector<30xf32> to vector<30x1xf32>
    %div3A_267 = arith.constant 7.680000e+02 : f32
    %div3A_268 = vector.broadcast %div3A_267 : f32 to vector<30x1xf32>
    %div3A_269 = arith.divf %broadcast_in_dim3A_266, %div3A_268 : vector<30x1xf32>
    %sub3A_270 = vector.broadcast %div3A_260 : vector<30x1xf32> to vector<30x768xf32>
    %sub3A_271 = arith.subf %add3A_254, %sub3A_270 : vector<30x768xf32>
    %add3A_272 = arith.constant 9.99999974E-6 : f32
    %add3A_273 = vector.broadcast %add3A_272 : f32 to vector<30x1xf32>
    %add3A_274 = arith.addf %div3A_269, %add3A_273 : vector<30x1xf32>
    %rsqrt3A_275 = math.rsqrt %add3A_274 : vector<30x1xf32>
    %mul3A_276 = vector.broadcast %rsqrt3A_275 : vector<30x1xf32> to vector<30x768xf32>
    %mul3A_277 = arith.mulf %sub3A_271, %mul3A_276 : vector<30x768xf32>
    %swap3A_278 = arith.constant 210 : index
    %swap3A_279 = arith.constant 0 : index
    %swap3A_280 = vector.load %arg3[%swap3A_278, %swap3A_279] : memref<240x768xf32, #tpu.memory_space<vmem>>, vector<30x768xf32>
    tpu.vector_store %arg3[%swap3A_278, %swap3A_279], %mul3A_277 {strides = array<i32>} : memref<240x768xf32, #tpu.memory_space<vmem>>, vector<30x768xf32>,
    return
  }
}

</mosaic_0001>

<sc_bundles>
// kernel: kernel.4.cloned.1.call-start
scs
__scs_entry_jumppad:
0x0: {  	(pc) =	sbr.rel $0x88, $3  }
0x1: {  	(tag) =	ssettag $0x0;
	lr =	simm.s32 $0x1  }
0x2: {  	[smem:$0x3F9C] =	sst lr;
	_ =	strace $0xD0000000  }
0x3: {  	_ = 	snop  }
0x4: {  	_ = 	snop  }
0x5: {  	_ = 	snop  }
0x6: {  	_ = 	snop  }
0x7: {  	_ = 	snop  }
__scs_overlays_trampoline_lowered:
0x8: {  	[smem:$0x3FAB] =	sst s0  }
0x9: {  	[smem:$0x3FAC] =	sst s1  }
0xa: {  	[smem:$0x3FAD] =	sst s2  }
0xb: {  	[smem:$0x3FAE] =	sst s3  }
0xc: {  	[smem:$0x3FAF] =	sst s4  }
0xd: {  	[smem:$0x3FB0] =	sst s5  }
0xe: {  	[smem:$0x3FB1] =	sst s6  }
0xf: {  	[smem:$0x3FB2] =	sst s7  }
0x10: {  	[smem:$0x3FB3] =	sst s8  }
0x11: {  	[smem:$0x3FB4] =	sst s9;
	s0 =	simm.s32 @!p0 $0x0  }
0x12: {  	s1 =	sld [smem:$0x3F9A];
	s0 =	simm.s32 @p0 $0x1  }
0x13: {  	[smem:$0x3FB5] =	sst s0;
	s0 =	simm.s32 @!p1 $0x0  }
0x14: {  	s2 =	sld [smem:$0x3F99];
	s0 =	simm.s32 @p1 $0x1  }
0x15: {  	[smem:$0x3FB6] =	sst s0;
	s0 =	simm.s32 @!p2 $0x0  }
0x16: {  	s3 =	sld [smem:$0x3FDB];
	s0 =	simm.s32 @p2 $0x1  }
0x17: {  	s4 =	simm.s32 $0x1BF5;
	[smem:$0x3FB8] =	sst s0  }
0x18: {  	s0 =	sld [smem:$0x3F9B];
	_ =	swait.ge [sflag:s4], $0x0  }
0x19: {  	s7 =	sld [smem:$0x3F9C]  }
0x1a: {  	s8 =	sadd.s32 $0xFFFFE003, lr  }
0x1b: {  	s9 =	sadd.s32 $0xFFFFFEF7, lr;
	s5 =	simm.s32 $0xFFFFFFFF;
	p2 =	slt.u32 s8, $0xFFFFF086  }
0x1c: {  	p1 =	slt.u32 s9, $0xF7A;
	s5 =	simm.s32 @!p2 $0x0  }
0x1d: {  	s5 =	simm.s32 @p1 $0x1;
	p0 =	seq.s32 s7, s2  }
0x1e: {  	s7 =	smul.u32 @!p0 $0xF7A, s2;
	p2 =	seq.s32 @!p0 s5, $0x0  }
0x1f: {  	s9 =	smul.u32 $0xF7A, s1;
	s8 =	simm.s32 @!p0 $0x1BF5;
	p2 =	por !p2, p0  }
0x20: {  	[sflag:s8] =	ssyncset.s32 @!p0 $0xFFFFF086;
	s6 =	sadd.s32 @!p0 s3, s7;
	s7 =	simm.s32 @!p0 $0x108  }
0x21: {  	s3 =	sadd.s32 s3, s9;
	s6 =	sadd.s32 @!p0 $0x88, s6;
	s7 =	simm.s32 @p2 $0x1082  }
0x22: {  	[simem:s7], [sflag:s8] =	dma.local @!p0 [hbm:s6], $0xF7A  }
0x23: {  	s9 =	sor.u32 $0xD0000000, s2;
	s6 =	simm.s32 $0x108;
	_ =	swait.ge @!p0 [sflag:s8], $0x0  }
0x24: {  	s3 =	sadd.s32 $0x88, s3;
	s6 =	simm.s32 @!p1 $0x1082;
	[sflag:s4] =	ssyncset.s32 $0xFFFFF086  }
0x25: {  	[simem:s6], [sflag:s4] =	dma.local [hbm:s3], $0xF7A  }
0x26: {  	[smem:$0x3F9C] =	sst s1;
	(tag) =	ssettag s2;
	_ =	strace s9  }
0x27: {  	s1 =	sld [smem:$0x3FAC]  }
0x28: {  	s2 =	sld [smem:$0x3FAD]  }
0x29: {  	s4 =	sld [smem:$0x3FAF]  }
0x2a: {  	p0 =	seq.s32 s5, $0x0;
	s5 =	sld [smem:$0x3FB0]  }
0x2b: {  	s6 =	sld [smem:$0x3FB1]  }
0x2c: {  	s7 =	sld [smem:$0x3FB2]  }
0x2d: {  	s3 =	simm.s32 $0x108;
	s8 =	sld [smem:$0x3FB3]  }
0x2e: {  	s3 =	simm.s32 @!p0 $0x1082;
	s9 =	sld [smem:$0x3FB4]  }
0x2f: {  	lr =	sadd.s32 s0, s3;
	s0 =	sld [smem:$0x3FAB]  }
0x30: {  	s3 =	sld [smem:$0x3FAE]  }
0x31: {  	[smem:$0x3FB7] =	sst s10  }
0x32: {  	s10 =	sld [smem:$0x3FB5];
	_ =	sdelay $0x3  }
0x33: {  	p0 =	seq.s32 s10, $0x1;
	s10 =	sld [smem:$0x3FB7];
	_ =	sdelay $0x3  }
0x34: {  	[smem:$0x3FB7] =	sst s10  }
0x35: {  	s10 =	sld [smem:$0x3FB6];
	_ =	sdelay $0x3  }
0x36: {  	p1 =	seq.s32 s10, $0x1;
	s10 =	sld [smem:$0x3FB7];
	_ =	sdelay $0x3  }
0x37: {  	[smem:$0x3FB7] =	sst s10  }
0x38: {  	s10 =	sld [smem:$0x3FB8]  }
0x39: {  	_ = 	snop;
	(pc) =	sbr.ind lr, $3  }
0x3a: {  	_ = 	snop  }
0x3b: {  	_ = 	snop  }
0x3c: {  	p2 =	seq.s32 s10, $0x1;
	s10 =	sld [smem:$0x3FB7]  }
0x3d: {  	_ =	shalt  }
0x3e: {  	_ =	shalt  }
0x3f: {  	_ =	shalt  }
0x40: {  	_ =	shalt  }
0x41: {  	_ =	shalt  }
0x42: {  	_ =	shalt  }
0x43: {  	_ =	shalt  }
0x44: {  	_ =	shalt  }
0x45: {  	_ =	shalt  }
0x46: {  	_ =	shalt  }
0x47: {  	_ =	shalt  }
0x48: {  	_ =	shalt  }
0x49: {  	_ =	shalt  }
0x4a: {  	_ =	shalt  }
0x4b: {  	_ =	shalt  }
0x4c: {  	_ =	shalt  }
0x4d: {  	_ =	shalt  }
0x4e: {  	_ =	shalt  }
0x4f: {  	_ =	shalt  }
0x50: {  	_ =	shalt  }
0x51: {  	_ =	shalt  }
0x52: {  	_ =	shalt  }
0x53: {  	_ =	shalt  }
0x54: {  	_ =	shalt  }
0x55: {  	_ =	shalt  }
0x56: {  	_ =	shalt  }
0x57: {  	_ =	shalt  }
0x58: {  	_ =	shalt  }
0x59: {  	_ =	shalt  }
0x5a: {  	_ =	shalt  }
0x5b: {  	_ =	shalt  }
0x5c: {  	_ =	shalt  }
0x5d: {  	_ =	shalt  }
0x5e: {  	_ =	shalt  }
0x5f: {  	_ =	shalt  }
0x60: {  	_ =	shalt  }
0x61: {  	_ =	shalt  }
0x62: {  	_ =	shalt  }
0x63: {  	_ =	shalt  }
0x64: {  	_ =	shalt  }
0x65: {  	_ =	shalt  }
0x66: {  	_ =	shalt  }
0x67: {  	_ =	shalt  }
0x68: {  	_ =	shalt  }
0x69: {  	_ =	shalt  }
0x6a: {  	_ =	shalt  }
0x6b: {  	_ =	shalt  }
0x6c: {  	_ =	shalt  }
0x6d: {  	_ =	shalt  }
0x6e: {  	_ =	shalt  }
0x6f: {  	_ =	shalt  }
0x70: {  	_ =	shalt  }
0x71: {  	_ =	shalt  }
0x72: {  	_ =	shalt  }
0x73: {  	_ =	shalt  }
0x74: {  	_ =	shalt  }
0x75: {  	_ =	shalt  }
0x76: {  	_ =	shalt  }
0x77: {  	_ =	shalt  }
0x78: {  	_ =	shalt  }
0x79: {  	_ =	shalt  }
0x7a: {  	_ =	shalt  }
0x7b: {  	_ =	shalt  }
0x7c: {  	_ =	shalt  }
0x7d: {  	_ =	shalt  }
0x7e: {  	_ =	shalt  }
0x7f: {  	_ =	shalt  }
0x80: {  	_ =	shalt  }
0x81: {  	_ =	shalt  }
0x82: {  	_ =	shalt  }
0x83: {  	_ =	shalt  }
0x84: {  	_ =	shalt  }
0x85: {  	_ =	shalt  }
0x86: {  	_ =	shalt  }
0x87: {  	_ =	shalt  }
.Lfunc_end0:
.L_simem_size_0:
called_computation.1_lowered:
.L_overlay_start_0:
0x88: {  	s2 =	sld [smem:$0x3FD9]  }
0x89: {  	s3 =	sld [smem:$0x3FFE];
	_ =	sdelay $0x1  }
0x8a: {  	s1 =	srdreg.scid  }
0x8b: {  	s0 =	sand.u32 $0x1, s1  }
0x8c: {  	s17 =	sshll.u32 s0, $0xA;
	s2 =	sadd.s32 s3, s2  }
0x8d: {  	s2 =	sadd.s32 s2, s17  }
0x8e: {  	[smem:$0x3FC3] =	sst s2  }
0x8f: {  	_ = 	snop  }
0x90: {  	s2 =	sld [smem:$0x3FD0];
	(tm) =	ssettm $0x1  }
0x91: {  	s18 =	sld [smem:$0x3FFB];
	_ =	sdelay $0x3  }
0x92: {  	_ =	strace s18  }
0x93: {  	s3 =	sld [smem:$0x3FFC];
	_ =	sdelay $0x3  }
0x94: {  	_ =	strace s3  }
0x95: {  	s3 =	sld [smem:$0x3FFD];
	_ =	sdelay $0x3  }
0x96: {  	_ =	strace s3  }
0x97: {  	_ =	strace $0x8FFFFFFF  }
0x98: {  	s19 =	sld [smem:$0x3FDB];
	_ =	sdelay $0x1  }
0x99: {  	s4 =	simm.s32 $_scs_section_size  }
0x9a: {  	s5 =	simm.s32 $_size__tile_overlayer_lowered;
	s6 =	simm.s32 $_tile_overlayer_lowered  }
0x9b: {  	s22 =	simm.s32 $0x1BFF;
	s21 =	sshll.u32 s6, $0x1;
	s3 =	sadd.s32 s4, s19  }
0x9c: {  	s7 =	simm.s32 $0x0;
	s20 =	sshll.u32 s5, $0x1;
	s5 =	sadd.s32 s21, s3  }
0x9d: {  	[timem:s7], [sflag:s22] =	dma.local [hbm:s5], s20  }
0x9e: {  	_ =	swait.ge [sflag:s22], s20  }
0x9f: {  	s4 =	ssub.s32 $0x0, s20;
	[sflag:s22] =	ssyncset.done $0x0  }
0xa0: {  	[sflag:s22] =	ssyncadd.s32 s4;
	_ =	sdelay $0x1  }
0xa1: {  	s23 =	simm.s32 $0x1B8B  }
0xa2: {  	_ =	swait.ge [sflag:s23], $0x1  }
0xa3: {  	[sflag:s23] =	ssyncset.done $0x0  }
0xa4: {  	s25 =	simm.s32 $0x1B8E;
	s24 =	sld [smem:$0x3FFE];
	[sflag:s23] =	ssyncadd.s32 $0xFFFFFFFF  }
0xa5: {  	s26 =	simm.s32 $execute0_lowered;
	[smem:$0x3FD2] =	sst s25  }
0xa6: {  	s5 =	sshll.u32 s26, $0x1;
	_ =	strace $0x80000046;
	[dreg:$0x1] =	wrdreg $0xFFFFFFFF  }
0xa7: {  	s28 =	simm.s32 $_size_execute0_lowered;
	s3 =	sadd.s32 s3, s5;
	[dreg:$0x0] =	wrdreg $0x0  }
0xa8: {  	s5 =	sshll.u32 s28, $0x1;
	[dreg:$0x2] =	wrdreg s3  }
0xa9: {  	[dreg:$0x3] =	wrdreg s5  }
0xaa: {  	[dreg:$0x4] =	wrdreg $0xC0  }
0xab: {  	_ =	task [dreg:s7], $0x5FFFF  }
0xac: {  	[dreg:$0x1] =	wrdreg $0xFFFFFFFF  }
0xad: {  	[dreg:$0x0] =	wrdreg $0x60  }
0xae: {  	[dreg:$0x2] =	wrdreg s24  }
0xaf: {  	[dreg:$0x3] =	wrdreg s2  }
0xb0: {  	[dreg:$0x4] =	wrdreg $0x9  }
0xb1: {  	_ =	task.clear_ibuf [dreg:s7], $0x5FFFF;
	_ =	strace $0x90000046  }
0xb2: {  	s29 =	simm.s32 $0x9;
	_ =	strace $0x80000048  }
0xb3: {  	_ =	swait.ge [sflag:s29], $0x1  }
0xb4: {  	[sflag:s29] =	ssyncadd.s32 $0xFFFFFFFF  }
0xb5: {  	_ =	strace $0x90000048  }
0xb6: {  	_ =	sfence  }
0xb7: {  	s30 =	sld [smem:$0x0];
	_ =	sdelay $0x2  }
0xb8: {  	s31 =	sshll.u32 s1, $0xD;
	s1 =	sshrl.u32 s1, $0x2  }
0xb9: {  	s3 =	sand.u32 $0x4000, s31;
	s1 =	sadd.s32 s1, s30  }
0xba: {  	s0 =	sor.u32 s3, s0;
	s1 =	sshll.u32 s1, $0x11  }
0xbb: {  	s0 =	sor.u32 s1, s0  }
0xbc: {  	s0 =	sadd.s32 $0x8F2B, s0  }
0xbd: {  	[sflag:s0] =	ssyncadd.remote.s32 $0x1  }
0xbe: {  	_ =	sfence.sel $0xFFFF  }
0xbf: {  	[dreg:$0x0] =	wrdreg $0xFFFFFFFF;
	(pc) =	sbr.abs _section_cstart, $3  }
0xc0: {  	[dreg:$0x1] =	wrdreg $0xFFFFFFFF  }
0xc1: {  	_ =	task.clear_ibuf [dreg:s7], $0x2FFFF;
	_ =	strace $0x9FFFFFFF  }
0xc2: {  	(tm) =	ssettm $0x7FFFFFFF  }
0xc3: {  	_ =	shalt  }
tec
execute0_lowered:
.L_overlay_start_1:
0x0: {  	(tag) =	ssettag $0x1  }
0x1: {  	s0 =	srdreg.scid;
	s3 =	rddreg [dreg:$0x0]  }
0x2: {  	s4 =	stileid.u32;
	s5 =	rddreg [dreg:$0x1];
	s2 =	simm.s32 $0x0  }
0x3: {  	s12 =	simm.s32 $0x3;
	s14 =	simm.s32 $0x2D00;
	s15 =	simm.s32 $0x1  }
0x4: {  	s16 =	simm.s32 $0xED00;
	s28 =	simm.s32 $0x14500;
	s29 =	simm.s32 $0x14D00  }
0x5: {  	s30 =	simm.s32 $0x15500;
	s31 =	simm.s32 $0x15D00;
	s13 =	simm.s32 $0x17500  }
0x6: {  	s9 =	simm.s32 $0x18D00;
	s17 =	simm.s32 $0x19D00;
	s18 =	simm.s32 $0x1A500  }
0x7: {  	s19 =	simm.s32 $0x2;
	s21 =	simm.s32 $0x0;
	s0 =	sand.u32 $0x1, s0  }
0x8: {  	s1 =	sshll.u32 s4, $0x1;
	s4 =	smul.u32 $0x1E00, s4;
	[smem:$0x7FF] =	sst s2  }
0x9: {  	s1 =	sor.u32 s0, s1;
	s6 =	smul.u32 $0xF00, s0;
	s0 =	ssub.s32 $0x2, s0  }
0xa: {  	_ =	strace $0x80000047;
	s1 =	smul.u32 $0xF00, s1;
	s23 =	sshrl.u32 s0, $0x1  }
0xb: {  	s8 =	sadd.s32 s6, s4;
	s4 =	sadd.s32 $0x8800, s3;
	s0 =	ssub.s32 s0, s23  }
0xc: {  	s1 =	sshrl.u32 s1, $0x3;
	s7 =	sor.u32 $0x40, s8;
	[dreg:$0x3] =	wrdreg s8  }
0xd: {  	s8 =	sshrl.u32 s8, $0x3;
	s0 =	smax.u32 s0, $0x1;
	s1 =	sadd.s32 s1, s3  }
0xe: {  	s24 =	sshrl.u32 s7, $0x3;
	s7 =	sadd.s32 $0x8900, s3;
	s26 =	smul.u32 $0x300, s8  }
0xf: {  	s8 =	sadd.s32 $0x8A00, s3;
	[dreg:$0x6] =	wrdreg s0;
	s0 =	simm.s32 $0x16D00  }
.Ltmp0:
0x10: {  	s3 =	simm.s32 $0x19500;
	s25 =	sadd.s32 $0x1000, s1;
	(pc) =	sbr.rel .LBB2_1-.Ltmp0, $4  }
0x11: {  	s6 =	smul.u32 $0x300, s24;
	s1 =	sadd.s32 $0x4C00, s1;
	[dreg:$0x4] =	wrdreg s25  }
0x12: {  	v0 =	vlaneseq.u32;
	s24 =	simm.s32 $0x12D00;
	[dreg:$0x5] =	wrdreg s1;
	s11 =	sadd.s32 s26, s5  }
0x13: {  	vm0 =	vmmov $0xffff;
	v2 =	vshrl.u32 v0, $0x3;
	s25 =	simm.s32 $0x13500;
	s26 =	simm.s32 $0x13D00;
	s1 =	simm.s32 $0x16500  }
0x14: {  	v1 =	vand.u32 $0x7, v0;
	v3 =	vor.u32 $0x8, v0;
	v2 =	vmul.u32 $0x8, v2;
	s10 =	sadd.s32 s6, s5;
	s5 =	simm.s32 $0x17D00;
	s6 =	simm.s32 $0x18500  }
.LBB2_7:
0x15: {  	s21 =	rddreg [dreg:$0x7]  }
0x16: {  	s20 =	rddreg [dreg:$0x6];
	s21 =	sadd.s32 $0x1, s21  }
0x17: {  	p0 =	sne.s32 s21, s20  }
.Ltmp1:
0x18: {  	_ = 	snop;
	(pc) =	sbr.rel @!p0 .LBB2_8-.Ltmp1, $1  }
0x19: {  	_ =	sdelay $0x3  }
.LBB2_1:
0x1a: {  	[dreg:$0x7] =	wrdreg s21  }
0x1b: {  	s20 =	rddreg [dreg:$0x4]  }
0x1c: {  	[tilespmem:s2], [sflag:$0x3] =	stream.linear.gather [hbm4b:s20+s2], $0xF00, $0x38;
	[tilespmem:$0x1AD00] =	vst v63  }
0x1d: {  	_ =	swait.ge [sflag:s12], $0xF00  }
0x1e: {  	[sflag:s12] =	ssyncset.done $0x0  }
0x1f: {  	s23 =	simm.s32 $0xF00;
	s22 =	rddreg [dreg:$0x5];
	[sflag:s12] =	ssyncadd.s32 $0xFFFFF100  }
0x20: {  	[tilespmem:s23], [sflag:$0x3] =	stream.linear.gather [hbm4b:s22+s2], $0xF00, $0x38;
	[tilespmem:$0x1AD00] =	vst v63  }
0x21: {  	_ =	swait.ge [sflag:s12], $0xF00  }
0x22: {  	s22 =	rddreg [dreg:$0x3]  }
0x23: {  	[sflag:s12] =	ssyncset.done $0x0;
	v4 =	vor.u32 s22, v0  }
0x24: {  	s20 =	simm.s32 $0x0;
	[sflag:s12] =	ssyncadd.s32 $0xFFFFF100;
	v6 =	vmulhi.u32 $0x88888889, v4  }
0x25: {  	v5 =	vld [tilespmem:s20+$0x0]  }
0x26: {  	v7 =	vshrl.u32 v6, $0x4;
	v6 =	vld [tilespmem:s20+$0xF00];
	_ =	sdelay $0x2  }
0x27: {  	s21 =	simm.s32 $0x40;
	s22 =	sadd.s32 $0x10, s22;
	v7 =	vmul.u32 $0x1E, v7  }
.LBB2_2:
0x28: {  	s23 =	sshra.s32 s21, $0x2;
	p0 =	sne.s32 s21, $0x3BC0;
	s21 =	sadd.s32 $0x40, s21;
	v8 =	vmul.u32 $0x3C, v5  }
.Ltmp2:
0x29: {  	v5 =	vld [tilespmem:s23+$0x0];
	v9 =	vmul.u32 $0x1E, v6;
	v7 =	vsub.s32 v4, v7;
	v4 =	vor.u32 s22, v0;
	(pc) =	sbr.rel @p0 .LBB2_2-.Ltmp2, $4  }
0x2a: {  	v6 =	vld [tilespmem:s23+$0xF00];
	v10 =	vmulhi.u32 $0x88888889, v4;
	v7 =	vadd.s32 v7, v8  }
0x2b: {  	v7 =	vadd.s32 v9, v7  }
0x2c: {  	v8 =	vshrl.u32 v10, $0x4;
	[tilespmem:s20+$0x1E00] =	vst v7;
	s20 =	smov.u32 s23  }
0x2d: {  	s22 =	sadd.s32 $0x10, s22;
	v7 =	vmul.u32 $0x1E, v8  }
0x2e: {  	v5 =	vmul.u32 $0x3C, v5  }
0x2f: {  	v6 =	vmul.u32 $0x1E, v6;
	v4 =	vsub.s32 v4, v7  }
0x30: {  	v4 =	vadd.s32 v4, v5  }
0x31: {  	v4 =	vadd.s32 v6, v4  }
0x32: {  	[tilespmem:s20+$0x1E00] =	vst v4  }
0x33: {  	v4 =	vld [tilespmem:$0x1E00];
	_ =	sdelay $0x4  }
0x34: {  	v5 =	vshrl.u32 v4, $0x3  }
0x35: {  	v5 =	vmul.u32 $0x30, v5  }
0x36: {  	v4 =	vand.u32 $0x7, v4  }
0x37: {  	v4 =	vor.u32 v4, v5  }
0x38: {  	v5 =	vperm.xlane v4, v1;
	_ =	sdelay $0x1  }
0x39: {  	v5 =	vadd.s32 v2, v5;
	_ =	sdelay $0x3  }
0x3a: {  	s20 =	simm.s32 $0x0;
	v4 =	vperm.xlane v4, v3  }
0x3b: {  	[tilespmem:s14], [sflag:$0x1] =	stream.indirect_vreg.gather [hbm4b:s4+s20], $0x80, v5, vm0, $0xb8;
	[tilespmem:$0x1AD00] =	vst v63  }
0x3c: {  	s23 =	simm.s32 $0x3500;
	v4 =	vadd.s32 v2, v4  }
0x3d: {  	[tilespmem:s23], [sflag:$0x1] =	stream.indirect_vreg.gather [hbm4b:s7+s20], $0x80, v5, vm0, $0xb8;
	[tilespmem:$0x1AD00] =	vst v63  }
0x3e: {  	s21 =	simm.s32 $0x3D00  }
0x3f: {  	[tilespmem:s21], [sflag:$0x1] =	stream.indirect_vreg.gather [hbm4b:s8+s20], $0x80, v5, vm0, $0xb8;
	[tilespmem:$0x1AD00] =	vst v63  }
0x40: {  	s22 =	simm.s32 $0x4500  }
0x41: {  	[tilespmem:s22], [sflag:$0x1] =	stream.indirect_vreg.gather [hbm4b:s4+s20], $0x80, v4, vm0, $0xb8;
	[tilespmem:$0x1AD00] =	vst v63  }
0x42: {  	s22 =	simm.s32 $0x4D00  }
0x43: {  	[tilespmem:s22], [sflag:$0x1] =	stream.indirect_vreg.gather [hbm4b:s7+s20], $0x80, v4, vm0, $0xb8;
	[tilespmem:$0x1AD00] =	vst v63  }
0x44: {  	s22 =	simm.s32 $0x5500  }
0x45: {  	[tilespmem:s22], [sflag:$0x1] =	stream.indirect_vreg.gather [hbm4b:s8+s20], $0x80, v4, vm0, $0xb8;
	[tilespmem:$0x1AD00] =	vst v63  }
0x46: {  	v4 =	vld [tilespmem:$0x1E10];
	_ =	sdelay $0x4  }
0x47: {  	v5 =	vshrl.u32 v4, $0x3  }
0x48: {  	v5 =	vmul.u32 $0x30, v5  }
0x49: {  	v4 =	vand.u32 $0x7, v4  }
0x4a: {  	v4 =	vor.u32 v4, v5  }
0x4b: {  	v5 =	vperm.xlane v4, v1;
	_ =	sdelay $0x1  }
0x4c: {  	v5 =	vadd.s32 v2, v5;
	_ =	sdelay $0x3  }
0x4d: {  	s22 =	simm.s32 $0x5D00;
	v4 =	vperm.xlane v4, v3  }
0x4e: {  	[tilespmem:s22], [sflag:$0x1] =	stream.indirect_vreg.gather [hbm4b:s4+s20], $0x80, v5, vm0, $0xb8;
	[tilespmem:$0x1AD00] =	vst v63  }
0x4f: {  	v4 =	vadd.s32 v2, v4;
	s22 =	simm.s32 $0x6500  }
0x50: {  	[tilespmem:s22], [sflag:$0x1] =	stream.indirect_vreg.gather [hbm4b:s7+s20], $0x80, v5, vm0, $0xb8;
	[tilespmem:$0x1AD00] =	vst v63  }
0x51: {  	s22 =	simm.s32 $0x6D00  }
0x52: {  	[tilespmem:s22], [sflag:$0x1] =	stream.indirect_vreg.gather [hbm4b:s8+s20], $0x80, v5, vm0, $0xb8;
	[tilespmem:$0x1AD00] =	vst v63  }
0x53: {  	s22 =	simm.s32 $0x7500  }
0x54: {  	[tilespmem:s22], [sflag:$0x1] =	stream.indirect_vreg.gather [hbm4b:s4+s20], $0x80, v4, vm0, $0xb8;
	[tilespmem:$0x1AD00] =	vst v63  }
0x55: {  	s22 =	simm.s32 $0x7D00  }
0x56: {  	[tilespmem:s22], [sflag:$0x1] =	stream.indirect_vreg.gather [hbm4b:s7+s20], $0x80, v4, vm0, $0xb8;
	[tilespmem:$0x1AD00] =	vst v63  }
0x57: {  	s22 =	simm.s32 $0x8500  }
0x58: {  	[tilespmem:s22], [sflag:$0x1] =	stream.indirect_vreg.gather [hbm4b:s8+s20], $0x80, v4, vm0, $0xb8;
	[tilespmem:$0x1AD00] =	vst v63  }
0x59: {  	v4 =	vld [tilespmem:$0x1E20];
	_ =	sdelay $0x4  }
0x5a: {  	v5 =	vshrl.u32 v4, $0x3  }
0x5b: {  	v5 =	vmul.u32 $0x30, v5  }
0x5c: {  	v4 =	vand.u32 $0x7, v4  }
0x5d: {  	v4 =	vor.u32 v4, v5  }
0x5e: {  	v5 =	vperm.xlane v4, v1;
	_ =	sdelay $0x1  }
0x5f: {  	v5 =	vadd.s32 v2, v5;
	_ =	sdelay $0x3  }
0x60: {  	s22 =	simm.s32 $0x8D00;
	v4 =	vperm.xlane v4, v3  }
0x61: {  	[tilespmem:s22], [sflag:$0x1] =	stream.indirect_vreg.gather [hbm4b:s4+s20], $0x80, v5, vm0, $0xb8;
	[tilespmem:$0x1AD00] =	vst v63  }
0x62: {  	v4 =	vadd.s32 v2, v4;
	s22 =	simm.s32 $0x9500  }
0x63: {  	[tilespmem:s22], [sflag:$0x1] =	stream.indirect_vreg.gather [hbm4b:s7+s20], $0x80, v5, vm0, $0xb8;
	[tilespmem:$0x1AD00] =	vst v63  }
0x64: {  	s22 =	simm.s32 $0x9D00  }
0x65: {  	[tilespmem:s22], [sflag:$0x1] =	stream.indirect_vreg.gather [hbm4b:s8+s20], $0x80, v5, vm0, $0xb8;
	[tilespmem:$0x1AD00] =	vst v63  }
0x66: {  	s22 =	simm.s32 $0xA500  }
0x67: {  	[tilespmem:s22], [sflag:$0x1] =	stream.indirect_vreg.gather [hbm4b:s4+s20], $0x80, v4, vm0, $0xb8;
	[tilespmem:$0x1AD00] =	vst v63  }
0x68: {  	s22 =	simm.s32 $0xAD00  }
0x69: {  	[tilespmem:s22], [sflag:$0x1] =	stream.indirect_vreg.gather [hbm4b:s7+s20], $0x80, v4, vm0, $0xb8;
	[tilespmem:$0x1AD00] =	vst v63  }
0x6a: {  	s22 =	simm.s32 $0xB500  }
0x6b: {  	[tilespmem:s22], [sflag:$0x1] =	stream.indirect_vreg.gather [hbm4b:s8+s20], $0x80, v4, vm0, $0xb8;
	[tilespmem:$0x1AD00] =	vst v63  }
0x6c: {  	v4 =	vld [tilespmem:$0x1E30];
	_ =	sdelay $0x4  }
0x6d: {  	v5 =	vshrl.u32 v4, $0x3  }
0x6e: {  	v5 =	vmul.u32 $0x30, v5  }
0x6f: {  	v4 =	vand.u32 $0x7, v4  }
0x70: {  	v4 =	vor.u32 v4, v5  }
0x71: {  	v5 =	vperm.xlane v4, v1;
	_ =	sdelay $0x1  }
0x72: {  	v5 =	vadd.s32 v2, v5;
	_ =	sdelay $0x3  }
0x73: {  	s22 =	simm.s32 $0xBD00;
	v4 =	vperm.xlane v4, v3  }
0x74: {  	[tilespmem:s22], [sflag:$0x1] =	stream.indirect_vreg.gather [hbm4b:s4+s20], $0x80, v5, vm0, $0xb8;
	[tilespmem:$0x1AD00] =	vst v63  }
0x75: {  	v4 =	vadd.s32 v2, v4;
	s22 =	simm.s32 $0xC500  }
0x76: {  	[tilespmem:s22], [sflag:$0x1] =	stream.indirect_vreg.gather [hbm4b:s7+s20], $0x80, v5, vm0, $0xb8;
	[tilespmem:$0x1AD00] =	vst v63  }
0x77: {  	s22 =	simm.s32 $0xCD00  }
0x78: {  	[tilespmem:s22], [sflag:$0x1] =	stream.indirect_vreg.gather [hbm4b:s8+s20], $0x80, v5, vm0, $0xb8;
	[tilespmem:$0x1AD00] =	vst v63  }
0x79: {  	s22 =	simm.s32 $0xD500  }
0x7a: {  	[tilespmem:s22], [sflag:$0x1] =	stream.indirect_vreg.gather [hbm4b:s4+s20], $0x80, v4, vm0, $0xb8;
	[tilespmem:$0x1AD00] =	vst v63  }
.Ltmp3:
0x7b: {  	_ = 	snop;
	(pc) =	sbr.rel .LBB2_4-.Ltmp3, $4  }
0x7c: {  	s22 =	simm.s32 $0xDD00  }
0x7d: {  	[tilespmem:s22], [sflag:$0x1] =	stream.indirect_vreg.gather [hbm4b:s7+s20], $0x80, v4, vm0, $0xb8;
	[tilespmem:$0x1AD00] =	vst v63  }
0x7e: {  	s21 =	simm.s32 $0x1E60;
	s22 =	simm.s32 $0xE500  }
0x7f: {  	[tilespmem:s22], [sflag:$0x1] =	stream.indirect_vreg.gather [hbm4b:s8+s20], $0x80, v4, vm0, $0xb8;
	[tilespmem:$0x1AD00] =	vst v63  }
.LBB2_6:
0x80: {  	s22 =	sadd.s32 s20, s10;
	s20 =	sadd.s32 $0x3000, s20  }
0x81: {  	p0 =	sne.s32 s20, $0x5A000  }
.Ltmp4:
0x82: {  	_ = 	snop;
	(pc) =	sbr.rel @!p0 .LBB2_7-.Ltmp4, $4  }
0x83: {  	[hbm4b:s22+s2] =	stream.linear.scatter [tilespmem:s16], [sflag:$0x3], $0xC000, $0x38;
	[tilespmem:$0x1AD00] =	vst v63  }
0x84: {  	_ =	swait.ge [sflag:s12], $0xC000  }
0x85: {  	[sflag:s12] =	ssyncset.done $0x0  }
0x86: {  	s21 =	sadd.s32 $0x80, s21;
	[sflag:s12] =	ssyncadd.s32 $0xFFFF4000  }
.LBB2_4:
0x87: {  	_ =	swait.ge [sflag:s15], $0xC000  }
0x88: {  	[sflag:s15] =	ssyncset.done $0x0  }
0x89: {  	[sflag:s15] =	ssyncadd.s32 $0xFFFF4000  }
0x8a: {  	v4 =	vld [tilespmem:s21+$0xFFFFFFE0];
	_ =	sdelay $0x4  }
0x8b: {  	v5 =	vshrl.u32 v4, $0x3  }
0x8c: {  	v5 =	vmul.u32 $0x30, v5  }
0x8d: {  	v4 =	vand.u32 $0x7, v4  }
0x8e: {  	v4 =	vor.u32 v4, v5  }
0x8f: {  	v5 =	vperm.xlane v4, v1;
	_ =	sdelay $0x1  }
0x90: {  	v5 =	vadd.s32 v2, v5;
	_ =	sdelay $0x3  }
0x91: {  	v4 =	vperm.xlane v4, v3  }
0x92: {  	[tilespmem:s16], [sflag:$0x2] =	stream.indirect_vreg.gather [hbm4b:s4+s2], $0x80, v5, vm0, $0xb8;
	[tilespmem:$0x1AD00] =	vst v63  }
0x93: {  	s22 =	simm.s32 $0xF500;
	v4 =	vadd.s32 v2, v4  }
0x94: {  	[tilespmem:s22], [sflag:$0x2] =	stream.indirect_vreg.gather [hbm4b:s7+s2], $0x80, v5, vm0, $0xb8;
	[tilespmem:$0x1AD00] =	vst v63  }
0x95: {  	s22 =	simm.s32 $0xFD00  }
0x96: {  	[tilespmem:s22], [sflag:$0x2] =	stream.indirect_vreg.gather [hbm4b:s8+s2], $0x80, v5, vm0, $0xb8;
	[tilespmem:$0x1AD00] =	vst v63  }
0x97: {  	s22 =	simm.s32 $0x10500  }
0x98: {  	[tilespmem:s22], [sflag:$0x2] =	stream.indirect_vreg.gather [hbm4b:s4+s2], $0x80, v4, vm0, $0xb8;
	[tilespmem:$0x1AD00] =	vst v63  }
0x99: {  	s22 =	simm.s32 $0x10D00  }
0x9a: {  	[tilespmem:s22], [sflag:$0x2] =	stream.indirect_vreg.gather [hbm4b:s7+s2], $0x80, v4, vm0, $0xb8;
	[tilespmem:$0x1AD00] =	vst v63  }
0x9b: {  	s22 =	simm.s32 $0x11500  }
0x9c: {  	[tilespmem:s22], [sflag:$0x2] =	stream.indirect_vreg.gather [hbm4b:s8+s2], $0x80, v4, vm0, $0xb8;
	[tilespmem:$0x1AD00] =	vst v63  }
0x9d: {  	v4 =	vld [tilespmem:s21+$0xFFFFFFF0];
	_ =	sdelay $0x4  }
0x9e: {  	v5 =	vshrl.u32 v4, $0x3  }
0x9f: {  	v5 =	vmul.u32 $0x30, v5  }
0xa0: {  	v4 =	vand.u32 $0x7, v4  }
0xa1: {  	v4 =	vor.u32 v4, v5  }
0xa2: {  	v5 =	vperm.xlane v4, v1;
	_ =	sdelay $0x1  }
0xa3: {  	v5 =	vadd.s32 v2, v5;
	_ =	sdelay $0x3  }
0xa4: {  	s22 =	simm.s32 $0x11D00;
	v4 =	vperm.xlane v4, v3  }
0xa5: {  	[tilespmem:s22], [sflag:$0x2] =	stream.indirect_vreg.gather [hbm4b:s4+s2], $0x80, v5, vm0, $0xb8;
	[tilespmem:$0x1AD00] =	vst v63  }
0xa6: {  	v4 =	vadd.s32 v2, v4;
	s22 =	simm.s32 $0x12500  }
0xa7: {  	[tilespmem:s22], [sflag:$0x2] =	stream.indirect_vreg.gather [hbm4b:s7+s2], $0x80, v5, vm0, $0xb8;
	[tilespmem:$0x1AD00] =	vst v63  }
0xa8: {  	_ = 	snop  }
0xa9: {  	[tilespmem:s24], [sflag:$0x2] =	stream.indirect_vreg.gather [hbm4b:s8+s2], $0x80, v5, vm0, $0xb8;
	[tilespmem:$0x1AD00] =	vst v63  }
0xaa: {  	_ = 	snop  }
0xab: {  	[tilespmem:s25], [sflag:$0x2] =	stream.indirect_vreg.gather [hbm4b:s4+s2], $0x80, v4, vm0, $0xb8;
	[tilespmem:$0x1AD00] =	vst v63  }
0xac: {  	_ = 	snop  }
0xad: {  	[tilespmem:s26], [sflag:$0x2] =	stream.indirect_vreg.gather [hbm4b:s7+s2], $0x80, v4, vm0, $0xb8;
	[tilespmem:$0x1AD00] =	vst v63  }
0xae: {  	_ = 	snop  }
0xaf: {  	[tilespmem:s28], [sflag:$0x2] =	stream.indirect_vreg.gather [hbm4b:s8+s2], $0x80, v4, vm0, $0xb8;
	[tilespmem:$0x1AD00] =	vst v63  }
0xb0: {  	v4 =	vld [tilespmem:s21+$0x0];
	_ =	sdelay $0x4  }
0xb1: {  	v5 =	vshrl.u32 v4, $0x3  }
0xb2: {  	v5 =	vmul.u32 $0x30, v5  }
0xb3: {  	v4 =	vand.u32 $0x7, v4  }
0xb4: {  	v4 =	vor.u32 v4, v5  }
0xb5: {  	v5 =	vperm.xlane v4, v1;
	_ =	sdelay $0x1  }
0xb6: {  	v5 =	vadd.s32 v2, v5;
	_ =	sdelay $0x3  }
0xb7: {  	v4 =	vperm.xlane v4, v3  }
0xb8: {  	[tilespmem:s29], [sflag:$0x2] =	stream.indirect_vreg.gather [hbm4b:s4+s2], $0x80, v5, vm0, $0xb8;
	[tilespmem:$0x1AD00] =	vst v63  }
0xb9: {  	v4 =	vadd.s32 v2, v4  }
0xba: {  	[tilespmem:s30], [sflag:$0x2] =	stream.indirect_vreg.gather [hbm4b:s7+s2], $0x80, v5, vm0, $0xb8;
	[tilespmem:$0x1AD00] =	vst v63  }
0xbb: {  	_ = 	snop  }
0xbc: {  	[tilespmem:s31], [sflag:$0x2] =	stream.indirect_vreg.gather [hbm4b:s8+s2], $0x80, v5, vm0, $0xb8;
	[tilespmem:$0x1AD00] =	vst v63  }
0xbd: {  	_ = 	snop  }
0xbe: {  	[tilespmem:s1], [sflag:$0x2] =	stream.indirect_vreg.gather [hbm4b:s4+s2], $0x80, v4, vm0, $0xb8;
	[tilespmem:$0x1AD00] =	vst v63  }
0xbf: {  	_ = 	snop  }
0xc0: {  	[tilespmem:s0], [sflag:$0x2] =	stream.indirect_vreg.gather [hbm4b:s7+s2], $0x80, v4, vm0, $0xb8;
	[tilespmem:$0x1AD00] =	vst v63  }
0xc1: {  	_ = 	snop  }
0xc2: {  	[tilespmem:s13], [sflag:$0x2] =	stream.indirect_vreg.gather [hbm4b:s8+s2], $0x80, v4, vm0, $0xb8;
	[tilespmem:$0x1AD00] =	vst v63  }
0xc3: {  	v4 =	vld [tilespmem:s21+$0x10];
	_ =	sdelay $0x4  }
0xc4: {  	v5 =	vshrl.u32 v4, $0x3  }
0xc5: {  	v5 =	vmul.u32 $0x30, v5  }
0xc6: {  	v4 =	vand.u32 $0x7, v4  }
0xc7: {  	v4 =	vor.u32 v4, v5  }
0xc8: {  	v5 =	vperm.xlane v4, v1;
	_ =	sdelay $0x1  }
0xc9: {  	v5 =	vadd.s32 v2, v5;
	_ =	sdelay $0x3  }
0xca: {  	v4 =	vperm.xlane v4, v3  }
0xcb: {  	[tilespmem:s5], [sflag:$0x2] =	stream.indirect_vreg.gather [hbm4b:s4+s2], $0x80, v5, vm0, $0xb8;
	[tilespmem:$0x1AD00] =	vst v63  }
0xcc: {  	v4 =	vadd.s32 v2, v4  }
0xcd: {  	[tilespmem:s6], [sflag:$0x2] =	stream.indirect_vreg.gather [hbm4b:s7+s2], $0x80, v5, vm0, $0xb8;
	[tilespmem:$0x1AD00] =	vst v63  }
0xce: {  	_ = 	snop  }
0xcf: {  	[tilespmem:s9], [sflag:$0x2] =	stream.indirect_vreg.gather [hbm4b:s8+s2], $0x80, v5, vm0, $0xb8;
	[tilespmem:$0x1AD00] =	vst v63  }
0xd0: {  	_ = 	snop  }
0xd1: {  	[tilespmem:s3], [sflag:$0x2] =	stream.indirect_vreg.gather [hbm4b:s4+s2], $0x80, v4, vm0, $0xb8;
	[tilespmem:$0x1AD00] =	vst v63  }
0xd2: {  	_ = 	snop  }
0xd3: {  	[tilespmem:s17], [sflag:$0x2] =	stream.indirect_vreg.gather [hbm4b:s7+s2], $0x80, v4, vm0, $0xb8;
	[tilespmem:$0x1AD00] =	vst v63  }
0xd4: {  	_ = 	snop  }
0xd5: {  	[tilespmem:s18], [sflag:$0x2] =	stream.indirect_vreg.gather [hbm4b:s8+s2], $0x80, v4, vm0, $0xb8;
	[tilespmem:$0x1AD00] =	vst v63  }
0xd6: {  	s22 =	sadd.s32 s20, s11  }
0xd7: {  	[hbm4b:s22+s2] =	stream.linear.scatter [tilespmem:s14], [sflag:$0x3], $0xC000, $0x38;
	[tilespmem:$0x1AD00] =	vst v63  }
0xd8: {  	p0 =	seq.s32 s20, $0x57000;
	_ =	swait.ge [sflag:s12], $0xC000  }
.Ltmp5:
0xd9: {  	[sflag:s12] =	ssyncset.done $0x0;
	(pc) =	sbr.rel @p0 .LBB2_6-.Ltmp5, $4  }
0xda: {  	[sflag:s12] =	ssyncadd.s32 $0xFFFF4000  }
0xdb: {  	_ =	swait.ge [sflag:s19], $0xC000  }
0xdc: {  	[sflag:s19] =	ssyncset.done $0x0  }
0xdd: {  	[sflag:s19] =	ssyncadd.s32 $0xFFFF4000  }
0xde: {  	v4 =	vld [tilespmem:s21+$0x20];
	_ =	sdelay $0x4  }
0xdf: {  	v5 =	vshrl.u32 v4, $0x3  }
0xe0: {  	v5 =	vmul.u32 $0x30, v5  }
0xe1: {  	v4 =	vand.u32 $0x7, v4  }
0xe2: {  	v4 =	vor.u32 v4, v5  }
0xe3: {  	v5 =	vperm.xlane v4, v1;
	_ =	sdelay $0x1  }
0xe4: {  	v5 =	vadd.s32 v2, v5;
	_ =	sdelay $0x3  }
0xe5: {  	v4 =	vperm.xlane v4, v3  }
0xe6: {  	[tilespmem:s14], [sflag:$0x1] =	stream.indirect_vreg.gather [hbm4b:s4+s2], $0x80, v5, vm0, $0xb8;
	[tilespmem:$0x1AD00] =	vst v63  }
0xe7: {  	v4 =	vadd.s32 v2, v4  }
0xe8: {  	[tilespmem:s23], [sflag:$0x1] =	stream.indirect_vreg.gather [hbm4b:s7+s2], $0x80, v5, vm0, $0xb8;
	[tilespmem:$0x1AD00] =	vst v63  }
0xe9: {  	s22 =	simm.s32 $0x3D00  }
0xea: {  	[tilespmem:s22], [sflag:$0x1] =	stream.indirect_vreg.gather [hbm4b:s8+s2], $0x80, v5, vm0, $0xb8;
	[tilespmem:$0x1AD00] =	vst v63  }
0xeb: {  	s22 =	simm.s32 $0x4500  }
0xec: {  	[tilespmem:s22], [sflag:$0x1] =	stream.indirect_vreg.gather [hbm4b:s4+s2], $0x80, v4, vm0, $0xb8;
	[tilespmem:$0x1AD00] =	vst v63  }
0xed: {  	s22 =	simm.s32 $0x4D00  }
0xee: {  	[tilespmem:s22], [sflag:$0x1] =	stream.indirect_vreg.gather [hbm4b:s7+s2], $0x80, v4, vm0, $0xb8;
	[tilespmem:$0x1AD00] =	vst v63  }
0xef: {  	s22 =	simm.s32 $0x5500  }
0xf0: {  	[tilespmem:s22], [sflag:$0x1] =	stream.indirect_vreg.gather [hbm4b:s8+s2], $0x80, v4, vm0, $0xb8;
	[tilespmem:$0x1AD00] =	vst v63  }
0xf1: {  	v4 =	vld [tilespmem:s21+$0x30];
	_ =	sdelay $0x4  }
0xf2: {  	v5 =	vshrl.u32 v4, $0x3  }
0xf3: {  	v5 =	vmul.u32 $0x30, v5  }
0xf4: {  	v4 =	vand.u32 $0x7, v4  }
0xf5: {  	v4 =	vor.u32 v4, v5  }
0xf6: {  	v5 =	vperm.xlane v4, v1;
	_ =	sdelay $0x1  }
0xf7: {  	v5 =	vadd.s32 v2, v5;
	_ =	sdelay $0x3  }
0xf8: {  	s22 =	simm.s32 $0x5D00;
	v4 =	vperm.xlane v4, v3  }
0xf9: {  	[tilespmem:s22], [sflag:$0x1] =	stream.indirect_vreg.gather [hbm4b:s4+s2], $0x80, v5, vm0, $0xb8;
	[tilespmem:$0x1AD00] =	vst v63  }
0xfa: {  	v4 =	vadd.s32 v2, v4;
	s22 =	simm.s32 $0x6500  }
0xfb: {  	[tilespmem:s22], [sflag:$0x1] =	stream.indirect_vreg.gather [hbm4b:s7+s2], $0x80, v5, vm0, $0xb8;
	[tilespmem:$0x1AD00] =	vst v63  }
0xfc: {  	s22 =	simm.s32 $0x6D00  }
0xfd: {  	[tilespmem:s22], [sflag:$0x1] =	stream.indirect_vreg.gather [hbm4b:s8+s2], $0x80, v5, vm0, $0xb8;
	[tilespmem:$0x1AD00] =	vst v63  }
0xfe: {  	s22 =	simm.s32 $0x7500  }
0xff: {  	[tilespmem:s22], [sflag:$0x1] =	stream.indirect_vreg.gather [hbm4b:s4+s2], $0x80, v4, vm0, $0xb8;
	[tilespmem:$0x1AD00] =	vst v63  }
0x100: {  	s22 =	simm.s32 $0x7D00  }
0x101: {  	[tilespmem:s22], [sflag:$0x1] =	stream.indirect_vreg.gather [hbm4b:s7+s2], $0x80, v4, vm0, $0xb8;
	[tilespmem:$0x1AD00] =	vst v63  }
0x102: {  	s22 =	simm.s32 $0x8500  }
0x103: {  	[tilespmem:s22], [sflag:$0x1] =	stream.indirect_vreg.gather [hbm4b:s8+s2], $0x80, v4, vm0, $0xb8;
	[tilespmem:$0x1AD00] =	vst v63  }
0x104: {  	v4 =	vld [tilespmem:s21+$0x40];
	_ =	sdelay $0x4  }
0x105: {  	v5 =	vshrl.u32 v4, $0x3  }
0x106: {  	v5 =	vmul.u32 $0x30, v5  }
0x107: {  	v4 =	vand.u32 $0x7, v4  }
0x108: {  	v4 =	vor.u32 v4, v5  }
0x109: {  	v5 =	vperm.xlane v4, v1;
	_ =	sdelay $0x1  }
0x10a: {  	v5 =	vadd.s32 v2, v5;
	_ =	sdelay $0x3  }
0x10b: {  	s22 =	simm.s32 $0x8D00;
	v4 =	vperm.xlane v4, v3  }
0x10c: {  	[tilespmem:s22], [sflag:$0x1] =	stream.indirect_vreg.gather [hbm4b:s4+s2], $0x80, v5, vm0, $0xb8;
	[tilespmem:$0x1AD00] =	vst v63  }
0x10d: {  	v4 =	vadd.s32 v2, v4;
	s22 =	simm.s32 $0x9500  }
0x10e: {  	[tilespmem:s22], [sflag:$0x1] =	stream.indirect_vreg.gather [hbm4b:s7+s2], $0x80, v5, vm0, $0xb8;
	[tilespmem:$0x1AD00] =	vst v63  }
0x10f: {  	s22 =	simm.s32 $0x9D00  }
0x110: {  	[tilespmem:s22], [sflag:$0x1] =	stream.indirect_vreg.gather [hbm4b:s8+s2], $0x80, v5, vm0, $0xb8;
	[tilespmem:$0x1AD00] =	vst v63  }
0x111: {  	s22 =	simm.s32 $0xA500  }
0x112: {  	[tilespmem:s22], [sflag:$0x1] =	stream.indirect_vreg.gather [hbm4b:s4+s2], $0x80, v4, vm0, $0xb8;
	[tilespmem:$0x1AD00] =	vst v63  }
0x113: {  	s22 =	simm.s32 $0xAD00  }
0x114: {  	[tilespmem:s22], [sflag:$0x1] =	stream.indirect_vreg.gather [hbm4b:s7+s2], $0x80, v4, vm0, $0xb8;
	[tilespmem:$0x1AD00] =	vst v63  }
0x115: {  	s22 =	simm.s32 $0xB500  }
0x116: {  	[tilespmem:s22], [sflag:$0x1] =	stream.indirect_vreg.gather [hbm4b:s8+s2], $0x80, v4, vm0, $0xb8;
	[tilespmem:$0x1AD00] =	vst v63  }
0x117: {  	v4 =	vld [tilespmem:s21+$0x50];
	_ =	sdelay $0x4  }
0x118: {  	v5 =	vshrl.u32 v4, $0x3  }
0x119: {  	v5 =	vmul.u32 $0x30, v5  }
0x11a: {  	v4 =	vand.u32 $0x7, v4  }
0x11b: {  	v4 =	vor.u32 v4, v5  }
0x11c: {  	v5 =	vperm.xlane v4, v1;
	_ =	sdelay $0x1  }
0x11d: {  	v5 =	vadd.s32 v2, v5;
	_ =	sdelay $0x3  }
0x11e: {  	s22 =	simm.s32 $0xBD00;
	v4 =	vperm.xlane v4, v3  }
0x11f: {  	[tilespmem:s22], [sflag:$0x1] =	stream.indirect_vreg.gather [hbm4b:s4+s2], $0x80, v5, vm0, $0xb8;
	[tilespmem:$0x1AD00] =	vst v63  }
0x120: {  	v4 =	vadd.s32 v2, v4;
	s22 =	simm.s32 $0xC500  }
0x121: {  	[tilespmem:s22], [sflag:$0x1] =	stream.indirect_vreg.gather [hbm4b:s7+s2], $0x80, v5, vm0, $0xb8;
	[tilespmem:$0x1AD00] =	vst v63  }
0x122: {  	s22 =	simm.s32 $0xCD00  }
0x123: {  	[tilespmem:s22], [sflag:$0x1] =	stream.indirect_vreg.gather [hbm4b:s8+s2], $0x80, v5, vm0, $0xb8;
	[tilespmem:$0x1AD00] =	vst v63  }
0x124: {  	s22 =	simm.s32 $0xD500  }
0x125: {  	[tilespmem:s22], [sflag:$0x1] =	stream.indirect_vreg.gather [hbm4b:s4+s2], $0x80, v4, vm0, $0xb8;
	[tilespmem:$0x1AD00] =	vst v63  }
.Ltmp6:
0x126: {  	_ = 	snop;
	(pc) =	sbr.rel .LBB2_6-.Ltmp6, $4  }
0x127: {  	s22 =	simm.s32 $0xDD00  }
0x128: {  	[tilespmem:s22], [sflag:$0x1] =	stream.indirect_vreg.gather [hbm4b:s7+s2], $0x80, v4, vm0, $0xb8;
	[tilespmem:$0x1AD00] =	vst v63  }
0x129: {  	s22 =	simm.s32 $0xE500  }
0x12a: {  	[tilespmem:s22], [sflag:$0x1] =	stream.indirect_vreg.gather [hbm4b:s8+s2], $0x80, v4, vm0, $0xb8;
	[tilespmem:$0x1AD00] =	vst v63  }
.LBB2_8:
0x12b: {  	_ =	sfence.sel $0x180000  }
0x12c: {  	[bflag:$0x0] =	sbarrier.arrive $0xFFFF  }
0x12d: {  	_ =	strace $0x90000047  }
0x12e: {  	s0 =	stileid.u32;
	[bflag:$0x2] =	sbarrier.arrive $0xFFFF  }
0x12f: {  	p0 =	sne.s32 s0, $0x0;
	s0 =	rddreg [dreg:$0x2]  }
0x130: {  	s0 =	sadd.s32 @!p0 $0x100000, s0  }
0x131: {  	[sflag:s0] =	ssyncadd.tile.s32 @!p0 $0x1;
	_ =	shalt  }
.Lfunc_end2:
_tile_overlayer_lowered:
.L_overlay_start_2:
0x132: {  	(tag) =	ssettag $0x2  }
0x133: {  	s0 =	rddreg [dreg:$0x0];
	s2 =	stileid.u32  }
0x134: {  	s1 =	rddreg [dreg:$0x1];
	p0 =	sne.s32 s2, $0x0  }
0x135: {  	s3 =	rddreg [dreg:$0x2];
	[bflag:$0x3] =	sbarrier.arrive $0xFFFF;
	s2 =	simm.s32 @!p0 $0x1C03  }
0x136: {  	[timem:s3], [sflag:s2] =	dma.local @!p0 [hbm:s0], s1  }
0x137: {  	s0 =	simm.s32 @!p0 $0x3  }
0x138: {  	_ =	swait.ge @!p0 [sflag:s0], s1  }
0x139: {  	s1 =	ssub.s32 @!p0 $0x0, s1;
	[sflag:s0] =	ssyncset.done @!p0 $0x0  }
0x13a: {  	[sflag:s0] =	ssyncadd.s32 @!p0 s1  }
0x13b: {  	[bflag:$0x3] =	sbarrier.arrive $0xFFFF  }
0x13c: {  	_ =	shalt  }

// kernel: sparse-core-data-format-call.cloned.1.call-start
scs
called_computation_lowered:
.L_overlay_start_0:
0x0: {  	s2 =	sld [smem:$0x3FD9]  }
0x1: {  	s3 =	sld [smem:$0x3FFE];
	_ =	sdelay $0x1  }
0x2: {  	s1 =	srdreg.scid  }
0x3: {  	s0 =	sand.u32 $0x1, s1  }
0x4: {  	s18 =	sshll.u32 s0, $0xA;
	s2 =	sadd.s32 s3, s2  }
0x5: {  	s2 =	sadd.s32 s2, s18  }
0x6: {  	[smem:$0x3FC3] =	sst s2  }
0x7: {  	_ = 	snop  }
0x8: {  	s2 =	sld [smem:$0x3FD0];
	(tm) =	ssettm $0x1  }
0x9: {  	s19 =	sld [smem:$0x3FFB];
	_ =	sdelay $0x3  }
0xa: {  	_ =	strace s19  }
0xb: {  	s3 =	sld [smem:$0x3FFC];
	_ =	sdelay $0x3  }
0xc: {  	_ =	strace s3  }
0xd: {  	s3 =	sld [smem:$0x3FFD];
	_ =	sdelay $0x3  }
0xe: {  	_ =	strace s3  }
0xf: {  	_ =	strace $0x8FFFFFFF  }
0x10: {  	s20 =	sld [smem:$0x3FDB];
	_ =	sdelay $0x1  }
0x11: {  	s4 =	simm.s32 $_scs_section_size  }
0x12: {  	s5 =	simm.s32 $_size__tile_overlayer_lowered;
	s6 =	simm.s32 $_tile_overlayer_lowered  }
0x13: {  	s23 =	simm.s32 $0x1BFF;
	s22 =	sshll.u32 s6, $0x1;
	s3 =	sadd.s32 s4, s20  }
0x14: {  	s7 =	simm.s32 $0x0;
	s21 =	sshll.u32 s5, $0x1;
	s5 =	sadd.s32 s22, s3  }
0x15: {  	[timem:s7], [sflag:s23] =	dma.local [hbm:s5], s21  }
0x16: {  	_ =	swait.ge [sflag:s23], s21  }
0x17: {  	s4 =	ssub.s32 $0x0, s21;
	[sflag:s23] =	ssyncset.done $0x0  }
0x18: {  	[sflag:s23] =	ssyncadd.s32 s4;
	_ =	sdelay $0x1  }
0x19: {  	s24 =	simm.s32 $0x1B8B  }
0x1a: {  	_ =	swait.ge [sflag:s24], $0x1  }
0x1b: {  	[sflag:s24] =	ssyncset.done $0x0  }
0x1c: {  	s26 =	simm.s32 $0x1B8E;
	s25 =	sld [smem:$0x3FFE];
	[sflag:s24] =	ssyncadd.s32 $0xFFFFFFFF  }
0x1d: {  	s27 =	simm.s32 $execute0_lowered;
	[smem:$0x3FD2] =	sst s26  }
0x1e: {  	s5 =	sshll.u32 s27, $0x1;
	_ =	strace $0x80000049;
	[dreg:$0x1] =	wrdreg $0xFFFFFFFF  }
0x1f: {  	s28 =	simm.s32 $_size_execute0_lowered;
	s3 =	sadd.s32 s3, s5;
	[dreg:$0x0] =	wrdreg $0x0  }
0x20: {  	s5 =	sshll.u32 s28, $0x1;
	[dreg:$0x2] =	wrdreg s3  }
0x21: {  	[dreg:$0x3] =	wrdreg s5  }
0x22: {  	[dreg:$0x4] =	wrdreg $0xC0  }
0x23: {  	_ =	task [dreg:s7], $0x5FFFF  }
0x24: {  	[dreg:$0x1] =	wrdreg $0xFFFFFFFF  }
0x25: {  	[dreg:$0x0] =	wrdreg $0x60  }
0x26: {  	[dreg:$0x2] =	wrdreg s25  }
0x27: {  	[dreg:$0x3] =	wrdreg s2  }
0x28: {  	[dreg:$0x4] =	wrdreg $0x9  }
0x29: {  	_ =	task.clear_ibuf [dreg:s7], $0x5FFFF;
	_ =	strace $0x90000049  }
0x2a: {  	s29 =	simm.s32 $0x9;
	_ =	strace $0x8000004B  }
0x2b: {  	_ =	swait.ge [sflag:s29], $0x1  }
0x2c: {  	[sflag:s29] =	ssyncadd.s32 $0xFFFFFFFF  }
0x2d: {  	_ =	strace $0x9000004B  }
0x2e: {  	_ =	sfence  }
0x2f: {  	s30 =	sld [smem:$0x0];
	_ =	sdelay $0x2  }
0x30: {  	s31 =	sshll.u32 s1, $0xD;
	s1 =	sshrl.u32 s1, $0x2  }
0x31: {  	s3 =	sand.u32 $0x4000, s31;
	s1 =	sadd.s32 s1, s30  }
0x32: {  	s0 =	sor.u32 s3, s0;
	s1 =	sshll.u32 s1, $0x11  }
0x33: {  	s0 =	sor.u32 s1, s0  }
0x34: {  	s0 =	sadd.s32 $0x8F2B, s0  }
0x35: {  	[sflag:s0] =	ssyncadd.remote.s32 $0x1  }
0x36: {  	_ =	sfence.sel $0xFFFF  }
0x37: {  	[dreg:$0x0] =	wrdreg $0xFFFFFFFF;
	(pc) =	sbr.abs _section_cstart, $3  }
0x38: {  	[dreg:$0x1] =	wrdreg $0xFFFFFFFF  }
0x39: {  	_ =	task.clear_ibuf [dreg:s7], $0x2FFFF;
	_ =	strace $0x9FFFFFFF  }
0x3a: {  	(tm) =	ssettm $0x7FFFFFFF  }
0x3b: {  	_ =	shalt  }
tec
execute0_lowered:
.L_overlay_start_1:
0x0: {  	(tag) =	ssettag $0x1  }
0x1: {  	s0 =	srdreg.scid  }
0x2: {  	s1 =	sshll.u32 s0, $0x4  }
0x3: {  	s6 =	rddreg [dreg:$0x0];
	s0 =	stileid.u32;
	s1 =	sand.u32 $0x10, s1  }
0x4: {  	s3 =	rddreg [dreg:$0x1];
	s1 =	sor.u32 s0, s1  }
0x5: {  	s5 =	simm.s32 $0x1;
	s31 =	simm.s32 $0x2;
	s2 =	sshll.u32 s1, $0x7  }
0x6: {  	s15 =	simm.s32 $0x0;
	s8 =	simm.s32 $0x1800;
	s4 =	ssub.s32 $0x1000, s2  }
0x7: {  	s9 =	simm.s32 $0x0;
	s14 =	simm.s32 $0x0;
	s30 =	sand.u32 $0xF80, s4  }
0x8: {  	s16 =	simm.s32 $0x0;
	s10 =	simm.s32 $0x0;
	p0 =	sne.s32 s30, $0x0  }
.Ltmp0:
0x9: {  	s7 =	sshrl.u32 s4, $0xC;
	s5 =	simm.s32 @!p0 $0x0;
	(pc) =	sbr.rel .LBB1_1-.Ltmp0, $4  }
0xa: {  	s11 =	simm.s32 $0x0;
	s1 =	rddreg [dreg:$0x2];
	s5 =	sadd.s32 s5, s7  }
0xb: {  	_ =	strace $0x8000004A;
	s4 =	simm.s32 $0x1;
	s5 =	smul.u32 $0xB4, s5  }
0xc: {  	s13 =	simm.s32 $0x0;
	s6 =	sadd.s32 $0x1000, s6;
	[sflag:s4] =	ssyncpa.u1 $0x0  }
0xd: {  	s12 =	smov.u32 s2;
	[sflag:s31] =	ssyncpa.u1 $0x0;
	s7 =	sor.u32 $0x1, s5  }
.LBB1_4:
0xe: {  	_ =	sdelay $0x2  }
0xf: {  	s20 =	sshrl.u32 s16, $0x3  }
0x10: {  	[tilespmem:v0+s19+$0xFFFFFFD0 ss:$0x1] =	vst.idx.msk $0xffff, v7;
	s21 =	sshll.u32 s15, $0x3;
	s20 =	smul.u32 $0x1800, s20  }
0x11: {  	v56 =	vld.idx.msk [tilespmem:v1+s18+$0x0 ss:$0x1], $0xffff;
	[tilespmem:v0+s19+$0xFFFFFFE0 ss:$0x1] =	vst.idx.msk $0xffff, v5;
	s27 =	sshll.u32 s16, $0x7;
	s21 =	sand.u32 $0xFFFFFC00, s21  }
0x12: {  	v57 =	vld.idx.msk [tilespmem:v1+s18+$0xFFFFFF90 ss:$0x1], $0xffff;
	[tilespmem:v0+s19+$0xFFFFFFF0 ss:$0x1] =	vst.idx.msk $0xffff, v4;
	s16 =	sand.u32 $0x380, s27;
	s20 =	sadd.s32 s20, s21  }
0x13: {  	v58 =	vld.idx.msk [tilespmem:v1+s18+$0xFFFFFFA0 ss:$0x1], $0xffff;
	[tilespmem:v0+s19+$0x0 ss:$0x1] =	vst.idx.msk $0xffff, v2;
	s28 =	sand.u32 $0x7F, s15;
	s16 =	sor.u32 s16, s20  }
0x14: {  	v59 =	vld.idx.msk [tilespmem:v1+s18+$0xFFFFFFB0 ss:$0x1], $0xffff;
	[tilespmem:v0+s19+$0x10 ss:$0x1] =	vst.idx.msk $0xffff, v3;
	s15 =	sor.u32 s28, s16  }
0x15: {  	v60 =	vld.idx.msk [tilespmem:v1+s18+$0xFFFFFFC0 ss:$0x1], $0xffff;
	[tilespmem:v0+s19+$0x20 ss:$0x1] =	vst.idx.msk $0xffff, v6;
	s29 =	smulhi.u32 $0xAAAAAAAB, s15  }
0x16: {  	v61 =	vld.idx.msk [tilespmem:v1+s18+$0xFFFFFFD0 ss:$0x1], $0xffff;
	[tilespmem:v0+s18+$0x30 ss:$0x1] =	vst.idx.msk $0xffff, v56;
	s16 =	smulhi.u32 $0xAAAAAAAB, s16  }
0x17: {  	v62 =	vld.idx.msk [tilespmem:v1+s18+$0xFFFFFFE0 ss:$0x1], $0xffff;
	[tilespmem:v0+s18+$0xFFFFFFC0 ss:$0x1] =	vst.idx.msk $0xffff, v57;
	s19 =	sshrl.u32 s29, $0x9  }
0x18: {  	v63 =	vld.idx.msk [tilespmem:v1+s18+$0xFFFFFFF0 ss:$0x1], $0xffff;
	[tilespmem:v0+s18+$0xFFFFFFD0 ss:$0x1] =	vst.idx.msk $0xffff, v58;
	s16 =	sshrl.u32 s16, $0x9;
	s19 =	smul.u32 $0x300, s19  }
0x19: {  	s14 =	smul.u32 $0x60000, s14;
	[tilespmem:v0+s18+$0xFFFFFFE0 ss:$0x1] =	vst.idx.msk $0xffff, v59;
	s16 =	sand.u32 $0xFFF, s16  }
0x1a: {  	[tilespmem:v0+s18+$0xFFFFFFF0 ss:$0x1] =	vst.idx.msk $0xffff, v60;
	s16 =	smul.u32 $0x60, s16;
	s15 =	ssub.s32 s15, s19  }
0x1b: {  	s14 =	sadd.s32 s3, s14;
	[tilespmem:v0+s18+$0x0 ss:$0x1] =	vst.idx.msk $0xffff, v61;
	s19 =	sand.u32 $0x7, s15  }
0x1c: {  	[tilespmem:v0+s18+$0x10 ss:$0x1] =	vst.idx.msk $0xffff, v62;
	s14 =	sadd.s32 s16, s14;
	s15 =	sshrl.u32 s15, $0x3;
	s30 =	sshll.u32 s19, $0x12  }
0x1d: {  	[tilespmem:v0+s18+$0x20 ss:$0x1] =	vst.idx.msk $0xffff, v63;
	s14 =	sadd.s32 s15, s14;
	s31 =	sor.u32 $0x400, s30  }
0x1e: {  	[hbm4b:s14+s31] =	stream.strided.scatter [tilespmem:s17], [sflag:$0x2], $0x4000, s8, s31, $0x38;
	[tilespmem:$0x10000] =	vst v63  }
.LBB1_5:
0x1f: {  	s17 =	sadd.s32 $0x80, s10  }
0x20: {  	s14 =	simm.s32 $0x1;
	p1 =	sgt.s32 s17, $0x2FF  }
0x21: {  	s14 =	simm.s32 @!p1 $0x0  }
0x22: {  	s18 =	sadd.s32 s14, s11  }
0x23: {  	s20 =	smov.u32 s12;
	s14 =	sadd.s32 $0x1000, s12;
	p2 =	sgt.s32 s18, $0x1D  }
0x24: {  	s20 =	smov.u32 @p2 s14  }
0x25: {  	s17 =	simm.s32 @p1 $0x0;
	p1 =	sgt.s32 s20, $0xFFF  }
0x26: {  	p0 =	slt.u32 s13, $0x2;
	s20 =	smov.u32 @p1 s2;
	p1 =	sne.s32 s13, s7  }
.Ltmp1:
0x27: {  	s19 =	simm.s32 @!p0 $0x2;
	(pc) =	sbr.rel @!p1 .LBB1_6-.Ltmp1, $4  }
0x28: {  	s15 =	smov.u32 s10;
	s16 =	smov.u32 s12;
	_ =	swait.ge @!p0 [sflag:s19], $0x4000  }
0x29: {  	s9 =	sadd.s32 $0x4000, s9;
	[sflag:s19] =	ssyncset.done @!p0 $0x0;
	s10 =	smov.u32 s17  }
0x2a: {  	[sflag:s19] =	ssyncadd.s32 @!p0 $0xFFFFC000;
	s18 =	simm.s32 @p2 $0x0;
	s14 =	smov.u32 s11  }
0x2b: {  	s11 =	smov.u32 s18;
	s13 =	sadd.s32 $0x1, s13;
	s12 =	smov.u32 s20  }
.LBB1_1:
0x2c: {  	p0 =	sge.u32 s13, s5  }
0x2d: {  	s17 =	sshrl.u32 @!p0 s11, $0x3  }
0x2e: {  	s18 =	sshll.u32 @!p0 s10, $0x3;
	s17 =	smul.u32 @!p0 $0x1800, s17  }
0x2f: {  	s19 =	sshll.u32 @!p0 s11, $0x7;
	s18 =	sand.u32 @!p0 $0xFFFFFC00, s18  }
0x30: {  	s17 =	sadd.s32 @!p0 s17, s18;
	s18 =	sand.u32 @!p0 $0x380, s19  }
0x31: {  	s19 =	sand.u32 @!p0 $0x7F, s10;
	s17 =	sor.u32 @!p0 s18, s17  }
0x32: {  	s18 =	sor.u32 @!p0 s19, s17  }
0x33: {  	s19 =	smulhi.u32 @!p0 $0xAAAAAAAB, s18  }
0x34: {  	s17 =	smulhi.u32 @!p0 $0xAAAAAAAB, s17  }
0x35: {  	s19 =	sshrl.u32 @!p0 s19, $0x9  }
0x36: {  	s31 =	sadd.s32 $0xFFFFFFFF, s13;
	s17 =	sshrl.u32 @!p0 s17, $0x9;
	s19 =	smul.u32 @!p0 $0x300, s19  }
0x37: {  	s20 =	sxor.u32 @!p0 $0xFFFFFFFF, s13;
	s21 =	smul.u32 @!p0 $0xC00, s12;
	s17 =	sand.u32 @!p0 $0x1F, s17  }
0x38: {  	s20 =	sshll.u32 @!p0 s20, $0xE;
	s17 =	smul.u32 @!p0 $0x60, s17;
	s18 =	ssub.s32 @!p0 s18, s19  }
0x39: {  	s19 =	sand.u32 @!p0 $0x4000, s20;
	s20 =	sadd.s32 @!p0 s6, s21;
	s21 =	sand.u32 @!p0 $0x7, s18  }
0x3a: {  	s18 =	sshrl.u32 @!p0 s18, $0x3;
	s17 =	sadd.s32 @!p0 s17, s20;
	s20 =	sshll.u32 @!p0 s21, $0x12  }
0x3b: {  	s17 =	sadd.s32 @!p0 s18, s17;
	s18 =	sor.u32 @!p0 $0x80, s20;
	s20 =	simm.s32 @!p0 $0x6000  }
0x3c: {  	[tilespmem:s19], [sflag:$0x1] =	stream.strided.gather @!p0 [hbm4b:s17+s18], $0x4000, s20, s18, $0x38;
	[tilespmem:$0x10000] =	vst v63  }
0x3d: {  	p0 =	sge.u32 s31, s5  }
.Ltmp2:
0x3e: {  	_ = 	snop;
	(pc) =	sbr.rel @p0 .LBB1_5-.Ltmp2, $1  }
0x3f: {  	_ =	sdelay $0x3  }
0x40: {  	s17 =	sand.u32 $0x4000, s9  }
0x41: {  	s18 =	sor.u32 $0x70, s17  }
0x42: {  	v1 =	vmov s18;
	_ =	sdelay $0x1  }
0x43: {  	_ =	swait.ge [sflag:s4], $0x4000  }
0x44: {  	[sflag:s4] =	ssyncset.done $0x0  }
0x45: {  	s19 =	simm.s32 $0x0;
	[sflag:s4] =	ssyncadd.s32 $0xFFFFC000  }
0x46: {  	s17 =	sor.u32 $0x8040, s17;
	v6 =	vld.idx.msk [tilespmem:v1+s19+$0x0 ss:$0x1], $0xffff  }
0x47: {  	v0 =	vmov s17;
	v8 =	vld.idx.msk [tilespmem:v1+s19+$0xFFFFFF90 ss:$0x1], $0xffff  }
0x48: {  	v7 =	vld.idx.msk [tilespmem:v1+s19+$0xFFFFFFA0 ss:$0x1], $0xffff  }
0x49: {  	v5 =	vld.idx.msk [tilespmem:v1+s19+$0xFFFFFFB0 ss:$0x1], $0xffff  }
0x4a: {  	v4 =	vld.idx.msk [tilespmem:v1+s19+$0xFFFFFFC0 ss:$0x1], $0xffff  }
0x4b: {  	s31 =	sshll.u32 s13, $0xE;
	v2 =	vld.idx.msk [tilespmem:v1+s19+$0xFFFFFFD0 ss:$0x1], $0xffff  }
0x4c: {  	s17 =	sand.u32 $0x4000, s31;
	v3 =	vld.idx.msk [tilespmem:v1+s19+$0xFFFFFFE0 ss:$0x1], $0xffff;
	[tilespmem:v0+s19+$0x30 ss:$0x1] =	vst.idx.msk $0xffff, v6  }
0x4d: {  	s20 =	simm.s32 $0x400;
	s18 =	simm.s32 $0x80;
	s17 =	sor.u32 $0x8000, s17;
	[tilespmem:v0+s19+$0xFFFFFFC0 ss:$0x1] =	vst.idx.msk $0xffff, v8;
	v6 =	vld.idx.msk [tilespmem:v1+s19+$0xFFFFFFF0 ss:$0x1], $0xffff  }
.LBB1_3:
0x4e: {  	p0 =	sne.s32 s20, $0xFE00;
	v8 =	vld.idx.msk [tilespmem:v1+s18+$0x0 ss:$0x1], $0xffff;
	[tilespmem:v0+s19+$0xFFFFFFD0 ss:$0x1] =	vst.idx.msk $0xffff, v7  }
0x4f: {  	v9 =	vld.idx.msk [tilespmem:v1+s18+$0xFFFFFF90 ss:$0x1], $0xffff;
	[tilespmem:v0+s19+$0xFFFFFFE0 ss:$0x1] =	vst.idx.msk $0xffff, v5  }
0x50: {  	v7 =	vld.idx.msk [tilespmem:v1+s18+$0xFFFFFFA0 ss:$0x1], $0xffff;
	[tilespmem:v0+s19+$0xFFFFFFF0 ss:$0x1] =	vst.idx.msk $0xffff, v4  }
.Ltmp3:
0x51: {  	v5 =	vld.idx.msk [tilespmem:v1+s18+$0xFFFFFFB0 ss:$0x1], $0xffff;
	[tilespmem:v0+s19+$0x0 ss:$0x1] =	vst.idx.msk $0xffff, v2;
	(pc) =	sbr.rel @p0 .LBB1_3-.Ltmp3, $4  }
0x52: {  	v4 =	vld.idx.msk [tilespmem:v1+s18+$0xFFFFFFC0 ss:$0x1], $0xffff;
	[tilespmem:v0+s19+$0x10 ss:$0x1] =	vst.idx.msk $0xffff, v3  }
0x53: {  	v2 =	vld.idx.msk [tilespmem:v1+s18+$0xFFFFFFD0 ss:$0x1], $0xffff;
	[tilespmem:v0+s19+$0x20 ss:$0x1] =	vst.idx.msk $0xffff, v6;
	s19 =	smov.u32 s18  }
0x54: {  	v3 =	vld.idx.msk [tilespmem:v1+s19+$0xFFFFFFE0 ss:$0x1], $0xffff;
	[tilespmem:v0+s19+$0x30 ss:$0x1] =	vst.idx.msk $0xffff, v8  }
0x55: {  	s18 =	sshra.s32 s20, $0x2;
	s20 =	sadd.s32 $0x200, s20;
	[tilespmem:v0+s19+$0xFFFFFFC0 ss:$0x1] =	vst.idx.msk $0xffff, v9;
	v6 =	vld.idx.msk [tilespmem:v1+s19+$0xFFFFFFF0 ss:$0x1], $0xffff  }
.Ltmp4:
0x56: {  	_ = 	snop;
	(pc) =	sbr.rel .LBB1_4-.Ltmp4, $1  }
0x57: {  	_ =	sdelay $0x3  }
.LBB1_6:
0x58: {  	_ =	sfence.sel $0x180000  }
0x59: {  	s2 =	simm.s32 $0x1;
	[bflag:$0x0] =	sbarrier.arrive $0xFFFF  }
0x5a: {  	s31 =	simm.s32 $0x2;
	[sflag:s2] =	ssyncpa.u1 $0x1  }
0x5b: {  	[sflag:s31] =	ssyncpa.u1 $0x1  }
0x5c: {  	p0 =	sne.s32 s0, $0x0;
	_ =	strace $0x9000004A  }
0x5d: {  	s0 =	sadd.s32 @!p0 $0x100000, s1;
	[bflag:$0x2] =	sbarrier.arrive $0xFFFF  }
0x5e: {  	[sflag:s0] =	ssyncadd.tile.s32 @!p0 $0x1;
	_ =	shalt  }
.Lfunc_end1:
_tile_overlayer_lowered:
.L_overlay_start_2:
0x5f: {  	(tag) =	ssettag $0x2  }
0x60: {  	s0 =	rddreg [dreg:$0x0];
	s2 =	stileid.u32  }
0x61: {  	s1 =	rddreg [dreg:$0x1];
	p0 =	sne.s32 s2, $0x0  }
0x62: {  	s3 =	rddreg [dreg:$0x2];
	[bflag:$0x3] =	sbarrier.arrive $0xFFFF;
	s2 =	simm.s32 @!p0 $0x1C01  }
0x63: {  	[timem:s3], [sflag:s2] =	dma.local @!p0 [hbm:s0], s1  }
0x64: {  	s0 =	simm.s32 @!p0 $0x1  }
0x65: {  	_ =	swait.ge @!p0 [sflag:s0], s1  }
0x66: {  	s1 =	ssub.s32 @!p0 $0x0, s1;
	[sflag:s0] =	ssyncset.done @!p0 $0x0  }
0x67: {  	[sflag:s0] =	ssyncadd.s32 @!p0 s1  }
0x68: {  	[bflag:$0x3] =	sbarrier.arrive $0xFFFF  }
0x69: {  	_ =	shalt  }

</sc_bundles>
